<compile_context>
chip_gen: v7x
topology: tpu7x:2x2x1
jax: 0.10.2.dev20260603
libtpu: 0.0.44.dev20260713+nightly
codegen_flags: <defaults>
</compile_context>

<pallas_src>
import functools

import jax
import jax.numpy as jnp
from jax import lax
from jax.experimental import pallas as pl
from jax.experimental.pallas import tpu as pltpu
from jax.experimental.pallas import tpu_sc as plsc

NC = 2
NS = 16
L = 16
CH = 128
DW = 8
HW = 128


def _sc_aggregate(xh, src3, dst3, ones_in, n_pad, n_chunks, n_x):
  rpt = n_pad // NS
  mesh = plsc.VectorSubcoreMesh(
      core_axis_name="c", subcore_axis_name="s", num_cores=NC, num_subcores=NS
  )

  d_split = n_chunks // 2

  @functools.partial(
      pl.kernel,
      out_type=(
          jax.ShapeDtypeStruct((NC, n_pad, HW), jnp.bfloat16),
          jax.ShapeDtypeStruct((NC, n_pad, DW), jnp.float32),
      ),
      mesh=mesh,
      compiler_params=pltpu.CompilerParams(use_tc_tiling_on_sc=False),
      scratch_types=[
          pltpu.VMEM((n_chunks, CH), jnp.int32),
          pltpu.VMEM((n_chunks, CH), jnp.int32),
          pltpu.VMEM((CH, HW), jnp.bfloat16),
          [pltpu.VMEM((CH, HW), jnp.bfloat16)] * 4,
          pltpu.VMEM((2 * CH, DW), jnp.float32),
          pltpu.VMEM_SHARED((n_pad, HW), jnp.bfloat16),
          pltpu.VMEM_SHARED((n_pad, DW), jnp.float32),
          [pltpu.SemaphoreType.DMA] * 4,
          [pltpu.SemaphoreType.DMA] * 4,
          pltpu.SemaphoreType.DMA,
      ],
  )
  def agg_kernel(xh_hbm, src_hbm, dst_hbm, ones_hbm, agg_out, deg_out,
                 src_v, dst_v, zb_v, rows, ones_v, acc_sh, deg_sh,
                 gsem, ssem, dsem):
    c = lax.axis_index("c")
    s = lax.axis_index("s")
    r0 = s * rpt

    zb16 = jnp.zeros((2 * L,), jnp.bfloat16)

    def zfill(i, _):
      zb_v[i // 4, pl.ds((i % 4) * 2 * L, 2 * L)] = zb16
      return 0

    lax.fori_loop(0, CH * 4, zfill, 0)

    pltpu.sync_copy(ones_hbm, ones_v)
    off = 0
    for sz in ([CH] * (rpt // CH)) + ([rpt % CH] if rpt % CH else []):
      pltpu.sync_copy(zb_v.at[pl.ds(0, sz)], acc_sh.at[pl.ds(r0 + off, sz)])
      pltpu.sync_copy(ones_v.at[pl.ds(CH, sz)],
                      deg_sh.at[pl.ds(r0 + off, sz)])
      off += sz

    pltpu.sync_copy(src_hbm.at[s], src_v)
    pltpu.sync_copy(dst_hbm.at[s], dst_v)

    xh_c = xh_hbm.at[pl.ds(c, 2 * n_x - 1)]

    plsc.subcore_barrier()

    def wait_gather(b):
      pltpu.make_async_copy(xh_c.at[src_v.at[0]], rows[b], gsem[b]).wait()

    def wait_scatter(b):
      pltpu.make_async_copy(rows[b], acc_sh.at[dst_v.at[0]], ssem[b]).wait()

    def body4(h, _):
      j = 4 * h
      for b in range(4):
        wait_gather(b)
        pltpu.async_copy(rows[b], acc_sh.at[dst_v.at[j + b]], ssem[b],
                         add=True)
      for b in range(4):
        wait_scatter(b)
        pltpu.async_copy(xh_c.at[src_v.at[j + 4 + b]], rows[b], gsem[b])
      return 0

    for b in range(4):
      pltpu.async_copy(xh_c.at[src_v.at[b]], rows[b], gsem[b])
    lax.fori_loop(0, n_chunks // 4 - 1, body4, 0)
    for b in range(4):
      wait_gather(b)
      pltpu.async_copy(rows[b], acc_sh.at[dst_v.at[n_chunks - 4 + b]],
                       ssem[b], add=True)
    for b in range(4):
      wait_scatter(b)

    def dfire(j, _):
      pltpu.async_copy(ones_v.at[pl.ds(0, CH)], deg_sh.at[dst_v.at[j]],
                       dsem, add=True)
      return 0

    def ddrain(j, _):
      pltpu.make_async_copy(ones_v.at[pl.ds(0, CH)], deg_sh.at[dst_v.at[0]],
                            dsem).wait()
      return 0

    @pl.when(c == 0)
    def _():
      lax.fori_loop(0, d_split, dfire, 0)
      lax.fori_loop(0, d_split, ddrain, 0)

    @pl.when(c == 1)
    def _():
      lax.fori_loop(d_split, n_chunks, dfire, 0)
      lax.fori_loop(d_split, n_chunks, ddrain, 0)

    plsc.subcore_barrier()

    pltpu.sync_copy(acc_sh.at[pl.ds(r0, rpt)], agg_out.at[c, pl.ds(r0, rpt)])
    pltpu.sync_copy(deg_sh.at[pl.ds(r0, rpt)], deg_out.at[c, pl.ds(r0, rpt)])

  return agg_kernel(xh, src3, dst3, ones_in)


def _tc_combine(x, agg3, deg3, W_l, W_r, b_l2, n, f_in, f_out, R):

  def tc_body(x_ref, a_ref, d_ref, wl_ref, wr_ref, b_ref, o_ref):
    deg = d_ref[0, :, 0:1] + d_ref[1, :, 0:1]
    inv = 1.0 / jnp.maximum(deg, 1.0)
    agg = jnp.concatenate([a_ref[0], a_ref[1]], axis=1)
    aw = jnp.dot(agg, wl_ref[...], preferred_element_type=jnp.float32)
    acc = aw * inv + jnp.dot(x_ref[...], wr_ref[...],
                             preferred_element_type=jnp.float32)
    o_ref[...] = jnp.maximum(acc + b_ref[...], 0.0)

  return pl.pallas_call(
      tc_body,
      grid=(n // R,),
      in_specs=[
          pl.BlockSpec((R, f_in), lambda i: (i, 0)),
          pl.BlockSpec((NC, R, HW), lambda i: (0, i, 0)),
          pl.BlockSpec((NC, R, DW), lambda i: (0, i, 0)),
          pl.BlockSpec((f_in, f_out), lambda i: (0, 0)),
          pl.BlockSpec((f_in, f_out), lambda i: (0, 0)),
          pl.BlockSpec((1, f_out), lambda i: (0, 0)),
      ],
      out_specs=pl.BlockSpec((R, f_out), lambda i: (i, 0)),
      out_shape=jax.ShapeDtypeStruct((n, f_out), jnp.float32),
  )(x, agg3, deg3, W_l, W_r, b_l2)


@jax.jit
def kernel(x, edge_index, W_l, b_l, W_r):
  n, f_in = x.shape
  e = edge_index.shape[1]
  f_out = W_l.shape[1]

  per_tile = -(-e // NS)
  n_chunks = 4 * -(-per_tile // (4 * CH))
  e_pad = n_chunks * CH * NS
  n_pad = -(-(n + 1) // (NS * 8)) * (NS * 8)

  ei_pad = jnp.pad(edge_index, ((0, 0), (0, e_pad - e)), constant_values=n)
  src3 = (ei_pad[0] * 2).reshape(NS, n_chunks, CH)
  dst3 = ei_pad[1].reshape(NS, n_chunks, CH)

  xb = jnp.pad(x, ((0, 1), (0, 0))).astype(jnp.bfloat16)
  xh = xb.reshape(NC * (n + 1), HW)
  ones_in = jnp.concatenate([jnp.ones((CH, DW), jnp.float32),
                             jnp.zeros((CH, DW), jnp.float32)])

  agg3, deg3 = _sc_aggregate(xh, src3, dst3, ones_in, n_pad, n_chunks,
                             NC * (n + 1))

  b_l2 = b_l.reshape(1, f_out)
  R = 2000
  wl_b = W_l.astype(jnp.bfloat16)
  wr_b = W_r.astype(jnp.bfloat16)
  return _tc_combine(x.astype(jnp.bfloat16), agg3, deg3, wl_b, wr_b, b_l2,
                     n, f_in, f_out, R)

# --- scband reference (transcript-rebuilt; emitter-appended) ---
"""Pipeline reference for scband-sage-en-49323404427443 (READ-ONLY COPY).

The authoritative reference and input builder live on the scoring server;
editing this copy changes nothing except your own understanding.
"""

import jax, jax.numpy as jnp
import numpy as np

N = 10000
E = 160000
F_IN = 256
F_OUT = 512


def setup_inputs(seed: int = 0) -> dict:
    key = jax.random.key(seed)
    k1, k2, k3, k4, k5 = jax.random.split(key, 5)
    x = jax.random.normal(k1, (N, F_IN), dtype=jnp.float32)
    edge_index = jax.random.randint(k2, (2, E), 0, N, dtype=jnp.int32)
    # SAGEConv parameters: lin_l (aggregated neighbors, with bias), lin_r (root, no bias)
    W_l = jax.random.normal(k3, (F_IN, F_OUT), dtype=jnp.float32) * (1.0 / np.sqrt(F_IN))
    b_l = jnp.zeros((F_OUT,), dtype=jnp.float32)
    W_r = jax.random.normal(k4, (F_IN, F_OUT), dtype=jnp.float32) * (1.0 / np.sqrt(F_IN))
    return {"x": x, "edge_index": edge_index, "W_l": W_l, "b_l": b_l, "W_r": W_r}


def reference(x, edge_index, W_l, b_l, W_r):
    # PyG SAGEConv (aggr='mean'): out = lin_l(mean_{j in N(i)} x_j) + lin_r(x_i)
    src = edge_index[0]
    dst = edge_index[1]
    msg = jnp.take(x, src, axis=0)                      # gather: [E, F_IN]
    agg = jax.ops.segment_sum(msg, dst, num_segments=N)  # scatter-add: [N, F_IN]
    deg = jax.ops.segment_sum(jnp.ones((E,), dtype=x.dtype), dst, num_segments=N)
    mean = agg / jnp.clip(deg, 1.0)[:, None]
    out = mean @ W_l + b_l + x @ W_r
    out = jax.nn.relu(out)
    # F.dropout with training=False is identity (eval mode)
    return out

if __name__ == "__main__":
    import jax
    _d = setup_inputs()
    print(jax.jit(kernel)(*tuple(_d.values())))

</pallas_src>

<mosaic_0001>
#map = affine_map<(d0, d1) -> (0, 0)>
#map1 = affine_map<(d0, d1) -> (0, 0, 0)>
module attributes {stable_mosaic.version = 14 : i64} {
  func.func @agg_kernel(%arg0: i32, %arg1: i32, %arg2: memref<20002x128xbf16, #tpu.memory_space<hbm>>, %arg3: memref<16x80x128xi32, #tpu.memory_space<hbm>>, %arg4: memref<16x80x128xi32, #tpu.memory_space<hbm>>, %arg5: memref<256x8xf32, #tpu.memory_space<hbm>>, %arg6: memref<2x10112x128xbf16, #tpu.memory_space<hbm>>, %arg7: memref<2x10112x8xf32, #tpu.memory_space<hbm>>, %arg8: memref<80x128xi32, #tpu.memory_space<vmem>>, %arg9: memref<80x128xi32, #tpu.memory_space<vmem>>, %arg10: memref<128x128xbf16, #tpu.memory_space<vmem>>, %arg11: memref<128x128xbf16, #tpu.memory_space<vmem>>, %arg12: memref<128x128xbf16, #tpu.memory_space<vmem>>, %arg13: memref<128x128xbf16, #tpu.memory_space<vmem>>, %arg14: memref<128x128xbf16, #tpu.memory_space<vmem>>, %arg15: memref<256x8xf32, #tpu.memory_space<vmem>>, %arg16: memref<10112x128xbf16, #tpu.memory_space<vmem_shared>>, %arg17: memref<10112x8xf32, #tpu.memory_space<vmem_shared>>, %arg18: memref<!tpu.dma_semaphore, #tpu.memory_space<semaphore_mem>>, %arg19: memref<!tpu.dma_semaphore, #tpu.memory_space<semaphore_mem>>, %arg20: memref<!tpu.dma_semaphore, #tpu.memory_space<semaphore_mem>>, %arg21: memref<!tpu.dma_semaphore, #tpu.memory_space<semaphore_mem>>, %arg22: memref<!tpu.dma_semaphore, #tpu.memory_space<semaphore_mem>>, %arg23: memref<!tpu.dma_semaphore, #tpu.memory_space<semaphore_mem>>, %arg24: memref<!tpu.dma_semaphore, #tpu.memory_space<semaphore_mem>>, %arg25: memref<!tpu.dma_semaphore, #tpu.memory_space<semaphore_mem>>, %arg26: memref<!tpu.dma_semaphore, #tpu.memory_space<semaphore_mem>>) attributes {dimension_semantics = [#tpu.dimension_semantics<core_parallel>, #tpu.dimension_semantics<subcore_parallel>], iteration_bounds = array<i64: 2, 16>, scalar_prefetch = 0 : i64, scratch_operands = 19 : i64, tpu.core_type = #tpu.core_type<sc_vector_subcore>, window_params = [{transform_indices = #map}, {transform_indices = #map1}, {transform_indices = #map1}, {transform_indices = #map}, {transform_indices = #map1}, {transform_indices = #map1}]} {
    %mul3A = arith.constant 632 : i32
    %mul3A_0 = arith.muli %arg1, %mul3A : i32
    %broadcast_in_dim3A = arith.constant 0.000000e+00 : bf16
    %broadcast_in_dim3A_1 = vector.broadcast %broadcast_in_dim3A : bf16 to vector<32xbf16>
    %scan3A = arith.constant 0 : i32
    %scan3A_2 = arith.constant 0 : i32
    %scan3A_3 = arith.constant 512 : i32
    %scan3A_4 = arith.addi %scan3A_2, %scan3A_3 : i32
    %scan3A_5 = arith.constant 1 : i32
    %scan3A_6 = scf.for %scan3A_168 = %scan3A_2 to %scan3A_4 step %scan3A_5 iter_args(%scan3A_169 = %scan3A) -> (i32)  : i32 {
      %jit3A = arith.constant 4 : i32
      %div3A = arith.divsi %scan3A_168, %jit3A : i32
      %sign3A = arith.constant 0 : i32
      %sign3A_170 = arith.cmpi sgt, %scan3A_168, %sign3A : i32
      %sign3A_171 = arith.extui %sign3A_170 : i1 to i32
      %sign3A_172 = arith.constant 0 : i32
      %sign3A_173 = arith.cmpi slt, %scan3A_168, %sign3A_172 : i32
      %sign3A_174 = arith.extui %sign3A_173 : i1 to i32
      %sign3A_175 = arith.subi %sign3A_171, %sign3A_174 : i32
      %sign3A_176 = arith.constant 0 : i32
      %sign3A_177 = arith.cmpi sgt, %jit3A, %sign3A_176 : i32
      %sign3A_178 = arith.extui %sign3A_177 : i1 to i32
      %sign3A_179 = arith.constant 0 : i32
      %sign3A_180 = arith.cmpi slt, %jit3A, %sign3A_179 : i32
      %sign3A_181 = arith.extui %sign3A_180 : i1 to i32
      %sign3A_182 = arith.subi %sign3A_178, %sign3A_181 : i32
      %ne3A = arith.cmpi ne, %sign3A_175, %sign3A_182 : i32
      %rem3A = arith.remsi %scan3A_168, %jit3A : i32
      %ne3A_183 = arith.constant 0 : i32
      %ne3A_184 = arith.cmpi ne, %rem3A, %ne3A_183 : i32
      %and3A = arith.andi %ne3A, %ne3A_184 : i1
      %sub3A = arith.constant 1 : i32
      %sub3A_185 = arith.subi %div3A, %sub3A : i32
      %select_n3A = arith.select %and3A, %sub3A_185, %div3A : i32
      %jit3A_186 = arith.constant 4 : i32
      %eq3A_187 = arith.constant 0 : i32
      %eq3A_188 = arith.cmpi eq, %jit3A_186, %eq3A_187 : i32
      %jit3A_189 = arith.constant 1 : i32
      %select_n3A_190 = arith.select %eq3A_188, %jit3A_189, %jit3A_186 : i32
      %rem3A_191 = arith.remsi %scan3A_168, %select_n3A_190 : i32
      %ne3A_192 = arith.constant 0 : i32
      %ne3A_193 = arith.cmpi ne, %rem3A_191, %ne3A_192 : i32
      %lt3A = arith.constant 0 : i32
      %lt3A_194 = arith.cmpi slt, %rem3A_191, %lt3A : i32
      %lt3A_195 = arith.constant 0 : i32
      %lt3A_196 = arith.cmpi slt, %select_n3A_190, %lt3A_195 : i32
      %ne3A_197 = arith.xori %lt3A_194, %lt3A_196 : i1
      %and3A_198 = arith.andi %ne3A_197, %ne3A_193 : i1
      %add3A_199 = arith.addi %rem3A_191, %select_n3A_190 : i32
      %select_n3A_200 = arith.select %and3A_198, %add3A_199, %rem3A_191 : i32
      %mul3A_201 = arith.constant 2 : i32
      %mul3A_202 = arith.muli %select_n3A_200, %mul3A_201 : i32
      %mul3A_203 = arith.constant 16 : i32
      %mul3A_204 = arith.muli %mul3A_202, %mul3A_203 : i32
      %swap3A = arith.index_cast %select_n3A : i32 to index
      %swap3A_205 = arith.index_cast %mul3A_204 : i32 to index
      %swap3A_206 = tpu.vector_load %arg10[%swap3A, %swap3A_205] {strides = array<i32>} : memref<128x128xbf16, #tpu.memory_space<vmem>>, vector<1x32xbf16>,
      %swap3A_207 = vector.shape_cast %swap3A_206 : vector<1x32xbf16> to vector<32xbf16>
      %swap3A_208 = vector.shape_cast %broadcast_in_dim3A_1 : vector<32xbf16> to vector<1x32xbf16>
      tpu.vector_store %arg10[%swap3A, %swap3A_205], %swap3A_208 {strides = array<i32>} : memref<128x128xbf16, #tpu.memory_space<vmem>>, vector<1x32xbf16>,
      %scan3A_209 = arith.constant 0 : i32
      scf.yield %scan3A_209 : i32
    }
    %scan3A_7 = arith.constant 512 : i32
    "tpu.region"() ({
      %run_scoped3A = tpu.sem_alloc : memref<!tpu.dma_semaphore, #tpu.memory_space<semaphore_mem>>
      tpu.enqueue_dma source(%arg5 : memref<256x8xf32, #tpu.memory_space<hbm>>) target(%arg15 : memref<256x8xf32, #tpu.memory_space<vmem>>) target_semaphore(%run_scoped3A : memref<!tpu.dma_semaphore, #tpu.memory_space<semaphore_mem>>)
      tpu.wait_dma2 semaphore(%run_scoped3A : memref<!tpu.dma_semaphore, #tpu.memory_space<semaphore_mem>>) src(%arg5 : memref<256x8xf32, #tpu.memory_space<hbm>>) dst(%arg15 : memref<256x8xf32, #tpu.memory_space<vmem>>)
      tpu.yield
    }) : () -> ()
    %add3A = arith.constant 0 : i32
    %add3A_8 = arith.addi %mul3A_0, %add3A : i32
    "tpu.region"() ({
      %run_scoped3A = tpu.sem_alloc : memref<!tpu.dma_semaphore, #tpu.memory_space<semaphore_mem>>
      %dma_start3A_168 = arith.constant 0 : i32
      %dma_start3A_169 = arith.constant 0 : i32
      %dma_start3A_170 = tpu.memref_slice %arg10[%dma_start3A_168, %dma_start3A_169] : memref<128x128xbf16, #tpu.memory_space<vmem>> -> memref<128x128xbf16, #tpu.memory_space<vmem>>
      %dma_start3A_171 = arith.constant 0 : i32
      %dma_start3A_172 = tpu.memref_slice %arg16[%add3A_8, %dma_start3A_171] : memref<10112x128xbf16, #tpu.memory_space<vmem_shared>> -> memref<128x128xbf16, #tpu.memory_space<vmem_shared>>
      %dma_start3A_173 = arith.constant 0 : i32
      %dma_start3A_174 = tpu.memref_slice %arg16[%add3A_8, %dma_start3A_173] : memref<10112x128xbf16, #tpu.memory_space<vmem_shared>> -> memref<128x128xbf16, #tpu.memory_space<vmem_shared>>
      %dma_start3A_175 = arith.constant 0 : i32
      %dma_start3A_176 = arith.constant 0 : i32
      %dma_start3A_177 = tpu.memref_slice %arg10[%dma_start3A_175, %dma_start3A_176] : memref<128x128xbf16, #tpu.memory_space<vmem>> -> memref<128x128xbf16, #tpu.memory_space<vmem>>
      tpu.enqueue_dma source(%dma_start3A_177 : memref<128x128xbf16, #tpu.memory_space<vmem>>) target(%dma_start3A_174 : memref<128x128xbf16, #tpu.memory_space<vmem_shared>>) target_semaphore(%run_scoped3A : memref<!tpu.dma_semaphore, #tpu.memory_space<semaphore_mem>>)
      %dma_wait3A_178 = arith.constant 0 : i32
      %dma_wait3A_179 = arith.constant 0 : i32
      %dma_wait3A_180 = tpu.memref_slice %arg10[%dma_wait3A_178, %dma_wait3A_179] : memref<128x128xbf16, #tpu.memory_space<vmem>> -> memref<128x128xbf16, #tpu.memory_space<vmem>>
      %dma_wait3A_181 = arith.constant 0 : i32
      %dma_wait3A_182 = tpu.memref_slice %arg16[%add3A_8, %dma_wait3A_181] : memref<10112x128xbf16, #tpu.memory_space<vmem_shared>> -> memref<128x128xbf16, #tpu.memory_space<vmem_shared>>
      %dma_wait3A_183 = arith.constant 0 : i32
      %dma_wait3A_184 = tpu.memref_slice %arg16[%add3A_8, %dma_wait3A_183] : memref<10112x128xbf16, #tpu.memory_space<vmem_shared>> -> memref<128x128xbf16, #tpu.memory_space<vmem_shared>>
      %dma_wait3A_185 = arith.constant 0 : i32
      %dma_wait3A_186 = arith.constant 0 : i32
      %dma_wait3A_187 = tpu.memref_slice %arg10[%dma_wait3A_185, %dma_wait3A_186] : memref<128x128xbf16, #tpu.memory_space<vmem>> -> memref<128x128xbf16, #tpu.memory_space<vmem>>
      tpu.wait_dma2 semaphore(%run_scoped3A : memref<!tpu.dma_semaphore, #tpu.memory_space<semaphore_mem>>) src(%dma_wait3A_187 : memref<128x128xbf16, #tpu.memory_space<vmem>>) dst(%dma_wait3A_184 : memref<128x128xbf16, #tpu.memory_space<vmem_shared>>)
      tpu.yield
    }) : () -> ()
    %add3A_9 = arith.constant 0 : i32
    %add3A_10 = arith.addi %mul3A_0, %add3A_9 : i32
    "tpu.region"() ({
      %run_scoped3A = tpu.sem_alloc : memref<!tpu.dma_semaphore, #tpu.memory_space<semaphore_mem>>
      %dma_start3A_168 = arith.constant 128 : i32
      %dma_start3A_169 = arith.constant 0 : i32
      %dma_start3A_170 = tpu.memref_slice %arg15[%dma_start3A_168, %dma_start3A_169] : memref<256x8xf32, #tpu.memory_space<vmem>> -> memref<128x8xf32, #tpu.memory_space<vmem>>
      %dma_start3A_171 = arith.constant 0 : i32
      %dma_start3A_172 = tpu.memref_slice %arg17[%add3A_10, %dma_start3A_171] : memref<10112x8xf32, #tpu.memory_space<vmem_shared>> -> memref<128x8xf32, #tpu.memory_space<vmem_shared>>
      %dma_start3A_173 = arith.constant 0 : i32
      %dma_start3A_174 = tpu.memref_slice %arg17[%add3A_10, %dma_start3A_173] : memref<10112x8xf32, #tpu.memory_space<vmem_shared>> -> memref<128x8xf32, #tpu.memory_space<vmem_shared>>
      %dma_start3A_175 = arith.constant 128 : i32
      %dma_start3A_176 = arith.constant 0 : i32
      %dma_start3A_177 = tpu.memref_slice %arg15[%dma_start3A_175, %dma_start3A_176] : memref<256x8xf32, #tpu.memory_space<vmem>> -> memref<128x8xf32, #tpu.memory_space<vmem>>
      tpu.enqueue_dma source(%dma_start3A_177 : memref<128x8xf32, #tpu.memory_space<vmem>>) target(%dma_start3A_174 : memref<128x8xf32, #tpu.memory_space<vmem_shared>>) target_semaphore(%run_scoped3A : memref<!tpu.dma_semaphore, #tpu.memory_space<semaphore_mem>>)
      %dma_wait3A_178 = arith.constant 128 : i32
      %dma_wait3A_179 = arith.constant 0 : i32
      %dma_wait3A_180 = tpu.memref_slice %arg15[%dma_wait3A_178, %dma_wait3A_179] : memref<256x8xf32, #tpu.memory_space<vmem>> -> memref<128x8xf32, #tpu.memory_space<vmem>>
      %dma_wait3A_181 = arith.constant 0 : i32
      %dma_wait3A_182 = tpu.memref_slice %arg17[%add3A_10, %dma_wait3A_181] : memref<10112x8xf32, #tpu.memory_space<vmem_shared>> -> memref<128x8xf32, #tpu.memory_space<vmem_shared>>
      %dma_wait3A_183 = arith.constant 0 : i32
      %dma_wait3A_184 = tpu.memref_slice %arg17[%add3A_10, %dma_wait3A_183] : memref<10112x8xf32, #tpu.memory_space<vmem_shared>> -> memref<128x8xf32, #tpu.memory_space<vmem_shared>>
      %dma_wait3A_185 = arith.constant 128 : i32
      %dma_wait3A_186 = arith.constant 0 : i32
      %dma_wait3A_187 = tpu.memref_slice %arg15[%dma_wait3A_185, %dma_wait3A_186] : memref<256x8xf32, #tpu.memory_space<vmem>> -> memref<128x8xf32, #tpu.memory_space<vmem>>
      tpu.wait_dma2 semaphore(%run_scoped3A : memref<!tpu.dma_semaphore, #tpu.memory_space<semaphore_mem>>) src(%dma_wait3A_187 : memref<128x8xf32, #tpu.memory_space<vmem>>) dst(%dma_wait3A_184 : memref<128x8xf32, #tpu.memory_space<vmem_shared>>)
      tpu.yield
    }) : () -> ()
    %add3A_11 = arith.constant 128 : i32
    %add3A_12 = arith.addi %mul3A_0, %add3A_11 : i32
    "tpu.region"() ({
      %run_scoped3A = tpu.sem_alloc : memref<!tpu.dma_semaphore, #tpu.memory_space<semaphore_mem>>
      %dma_start3A_168 = arith.constant 0 : i32
      %dma_start3A_169 = arith.constant 0 : i32
      %dma_start3A_170 = tpu.memref_slice %arg10[%dma_start3A_168, %dma_start3A_169] : memref<128x128xbf16, #tpu.memory_space<vmem>> -> memref<128x128xbf16, #tpu.memory_space<vmem>>
      %dma_start3A_171 = arith.constant 0 : i32
      %dma_start3A_172 = tpu.memref_slice %arg16[%add3A_12, %dma_start3A_171] : memref<10112x128xbf16, #tpu.memory_space<vmem_shared>> -> memref<128x128xbf16, #tpu.memory_space<vmem_shared>>
      %dma_start3A_173 = arith.constant 0 : i32
      %dma_start3A_174 = tpu.memref_slice %arg16[%add3A_12, %dma_start3A_173] : memref<10112x128xbf16, #tpu.memory_space<vmem_shared>> -> memref<128x128xbf16, #tpu.memory_space<vmem_shared>>
      %dma_start3A_175 = arith.constant 0 : i32
      %dma_start3A_176 = arith.constant 0 : i32
      %dma_start3A_177 = tpu.memref_slice %arg10[%dma_start3A_175, %dma_start3A_176] : memref<128x128xbf16, #tpu.memory_space<vmem>> -> memref<128x128xbf16, #tpu.memory_space<vmem>>
      tpu.enqueue_dma source(%dma_start3A_177 : memref<128x128xbf16, #tpu.memory_space<vmem>>) target(%dma_start3A_174 : memref<128x128xbf16, #tpu.memory_space<vmem_shared>>) target_semaphore(%run_scoped3A : memref<!tpu.dma_semaphore, #tpu.memory_space<semaphore_mem>>)
      %dma_wait3A_178 = arith.constant 0 : i32
      %dma_wait3A_179 = arith.constant 0 : i32
      %dma_wait3A_180 = tpu.memref_slice %arg10[%dma_wait3A_178, %dma_wait3A_179] : memref<128x128xbf16, #tpu.memory_space<vmem>> -> memref<128x128xbf16, #tpu.memory_space<vmem>>
      %dma_wait3A_181 = arith.constant 0 : i32
      %dma_wait3A_182 = tpu.memref_slice %arg16[%add3A_12, %dma_wait3A_181] : memref<10112x128xbf16, #tpu.memory_space<vmem_shared>> -> memref<128x128xbf16, #tpu.memory_space<vmem_shared>>
      %dma_wait3A_183 = arith.constant 0 : i32
      %dma_wait3A_184 = tpu.memref_slice %arg16[%add3A_12, %dma_wait3A_183] : memref<10112x128xbf16, #tpu.memory_space<vmem_shared>> -> memref<128x128xbf16, #tpu.memory_space<vmem_shared>>
      %dma_wait3A_185 = arith.constant 0 : i32
      %dma_wait3A_186 = arith.constant 0 : i32
      %dma_wait3A_187 = tpu.memref_slice %arg10[%dma_wait3A_185, %dma_wait3A_186] : memref<128x128xbf16, #tpu.memory_space<vmem>> -> memref<128x128xbf16, #tpu.memory_space<vmem>>
      tpu.wait_dma2 semaphore(%run_scoped3A : memref<!tpu.dma_semaphore, #tpu.memory_space<semaphore_mem>>) src(%dma_wait3A_187 : memref<128x128xbf16, #tpu.memory_space<vmem>>) dst(%dma_wait3A_184 : memref<128x128xbf16, #tpu.memory_space<vmem_shared>>)
      tpu.yield
    }) : () -> ()
    %add3A_13 = arith.constant 128 : i32
    %add3A_14 = arith.addi %mul3A_0, %add3A_13 : i32
    "tpu.region"() ({
      %run_scoped3A = tpu.sem_alloc : memref<!tpu.dma_semaphore, #tpu.memory_space<semaphore_mem>>
      %dma_start3A_168 = arith.constant 128 : i32
      %dma_start3A_169 = arith.constant 0 : i32
      %dma_start3A_170 = tpu.memref_slice %arg15[%dma_start3A_168, %dma_start3A_169] : memref<256x8xf32, #tpu.memory_space<vmem>> -> memref<128x8xf32, #tpu.memory_space<vmem>>
      %dma_start3A_171 = arith.constant 0 : i32
      %dma_start3A_172 = tpu.memref_slice %arg17[%add3A_14, %dma_start3A_171] : memref<10112x8xf32, #tpu.memory_space<vmem_shared>> -> memref<128x8xf32, #tpu.memory_space<vmem_shared>>
      %dma_start3A_173 = arith.constant 0 : i32
      %dma_start3A_174 = tpu.memref_slice %arg17[%add3A_14, %dma_start3A_173] : memref<10112x8xf32, #tpu.memory_space<vmem_shared>> -> memref<128x8xf32, #tpu.memory_space<vmem_shared>>
      %dma_start3A_175 = arith.constant 128 : i32
      %dma_start3A_176 = arith.constant 0 : i32
      %dma_start3A_177 = tpu.memref_slice %arg15[%dma_start3A_175, %dma_start3A_176] : memref<256x8xf32, #tpu.memory_space<vmem>> -> memref<128x8xf32, #tpu.memory_space<vmem>>
      tpu.enqueue_dma source(%dma_start3A_177 : memref<128x8xf32, #tpu.memory_space<vmem>>) target(%dma_start3A_174 : memref<128x8xf32, #tpu.memory_space<vmem_shared>>) target_semaphore(%run_scoped3A : memref<!tpu.dma_semaphore, #tpu.memory_space<semaphore_mem>>)
      %dma_wait3A_178 = arith.constant 128 : i32
      %dma_wait3A_179 = arith.constant 0 : i32
      %dma_wait3A_180 = tpu.memref_slice %arg15[%dma_wait3A_178, %dma_wait3A_179] : memref<256x8xf32, #tpu.memory_space<vmem>> -> memref<128x8xf32, #tpu.memory_space<vmem>>
      %dma_wait3A_181 = arith.constant 0 : i32
      %dma_wait3A_182 = tpu.memref_slice %arg17[%add3A_14, %dma_wait3A_181] : memref<10112x8xf32, #tpu.memory_space<vmem_shared>> -> memref<128x8xf32, #tpu.memory_space<vmem_shared>>
      %dma_wait3A_183 = arith.constant 0 : i32
      %dma_wait3A_184 = tpu.memref_slice %arg17[%add3A_14, %dma_wait3A_183] : memref<10112x8xf32, #tpu.memory_space<vmem_shared>> -> memref<128x8xf32, #tpu.memory_space<vmem_shared>>
      %dma_wait3A_185 = arith.constant 128 : i32
      %dma_wait3A_186 = arith.constant 0 : i32
      %dma_wait3A_187 = tpu.memref_slice %arg15[%dma_wait3A_185, %dma_wait3A_186] : memref<256x8xf32, #tpu.memory_space<vmem>> -> memref<128x8xf32, #tpu.memory_space<vmem>>
      tpu.wait_dma2 semaphore(%run_scoped3A : memref<!tpu.dma_semaphore, #tpu.memory_space<semaphore_mem>>) src(%dma_wait3A_187 : memref<128x8xf32, #tpu.memory_space<vmem>>) dst(%dma_wait3A_184 : memref<128x8xf32, #tpu.memory_space<vmem_shared>>)
      tpu.yield
    }) : () -> ()
    %add3A_15 = arith.constant 256 : i32
    %add3A_16 = arith.addi %mul3A_0, %add3A_15 : i32
    "tpu.region"() ({
      %run_scoped3A = tpu.sem_alloc : memref<!tpu.dma_semaphore, #tpu.memory_space<semaphore_mem>>
      %dma_start3A_168 = arith.constant 0 : i32
      %dma_start3A_169 = arith.constant 0 : i32
      %dma_start3A_170 = tpu.memref_slice %arg10[%dma_start3A_168, %dma_start3A_169] : memref<128x128xbf16, #tpu.memory_space<vmem>> -> memref<128x128xbf16, #tpu.memory_space<vmem>>
      %dma_start3A_171 = arith.constant 0 : i32
      %dma_start3A_172 = tpu.memref_slice %arg16[%add3A_16, %dma_start3A_171] : memref<10112x128xbf16, #tpu.memory_space<vmem_shared>> -> memref<128x128xbf16, #tpu.memory_space<vmem_shared>>
      %dma_start3A_173 = arith.constant 0 : i32
      %dma_start3A_174 = tpu.memref_slice %arg16[%add3A_16, %dma_start3A_173] : memref<10112x128xbf16, #tpu.memory_space<vmem_shared>> -> memref<128x128xbf16, #tpu.memory_space<vmem_shared>>
      %dma_start3A_175 = arith.constant 0 : i32
      %dma_start3A_176 = arith.constant 0 : i32
      %dma_start3A_177 = tpu.memref_slice %arg10[%dma_start3A_175, %dma_start3A_176] : memref<128x128xbf16, #tpu.memory_space<vmem>> -> memref<128x128xbf16, #tpu.memory_space<vmem>>
      tpu.enqueue_dma source(%dma_start3A_177 : memref<128x128xbf16, #tpu.memory_space<vmem>>) target(%dma_start3A_174 : memref<128x128xbf16, #tpu.memory_space<vmem_shared>>) target_semaphore(%run_scoped3A : memref<!tpu.dma_semaphore, #tpu.memory_space<semaphore_mem>>)
      %dma_wait3A_178 = arith.constant 0 : i32
      %dma_wait3A_179 = arith.constant 0 : i32
      %dma_wait3A_180 = tpu.memref_slice %arg10[%dma_wait3A_178, %dma_wait3A_179] : memref<128x128xbf16, #tpu.memory_space<vmem>> -> memref<128x128xbf16, #tpu.memory_space<vmem>>
      %dma_wait3A_181 = arith.constant 0 : i32
      %dma_wait3A_182 = tpu.memref_slice %arg16[%add3A_16, %dma_wait3A_181] : memref<10112x128xbf16, #tpu.memory_space<vmem_shared>> -> memref<128x128xbf16, #tpu.memory_space<vmem_shared>>
      %dma_wait3A_183 = arith.constant 0 : i32
      %dma_wait3A_184 = tpu.memref_slice %arg16[%add3A_16, %dma_wait3A_183] : memref<10112x128xbf16, #tpu.memory_space<vmem_shared>> -> memref<128x128xbf16, #tpu.memory_space<vmem_shared>>
      %dma_wait3A_185 = arith.constant 0 : i32
      %dma_wait3A_186 = arith.constant 0 : i32
      %dma_wait3A_187 = tpu.memref_slice %arg10[%dma_wait3A_185, %dma_wait3A_186] : memref<128x128xbf16, #tpu.memory_space<vmem>> -> memref<128x128xbf16, #tpu.memory_space<vmem>>
      tpu.wait_dma2 semaphore(%run_scoped3A : memref<!tpu.dma_semaphore, #tpu.memory_space<semaphore_mem>>) src(%dma_wait3A_187 : memref<128x128xbf16, #tpu.memory_space<vmem>>) dst(%dma_wait3A_184 : memref<128x128xbf16, #tpu.memory_space<vmem_shared>>)
      tpu.yield
    }) : () -> ()
    %add3A_17 = arith.constant 256 : i32
    %add3A_18 = arith.addi %mul3A_0, %add3A_17 : i32
    "tpu.region"() ({
      %run_scoped3A = tpu.sem_alloc : memref<!tpu.dma_semaphore, #tpu.memory_space<semaphore_mem>>
      %dma_start3A_168 = arith.constant 128 : i32
      %dma_start3A_169 = arith.constant 0 : i32
      %dma_start3A_170 = tpu.memref_slice %arg15[%dma_start3A_168, %dma_start3A_169] : memref<256x8xf32, #tpu.memory_space<vmem>> -> memref<128x8xf32, #tpu.memory_space<vmem>>
      %dma_start3A_171 = arith.constant 0 : i32
      %dma_start3A_172 = tpu.memref_slice %arg17[%add3A_18, %dma_start3A_171] : memref<10112x8xf32, #tpu.memory_space<vmem_shared>> -> memref<128x8xf32, #tpu.memory_space<vmem_shared>>
      %dma_start3A_173 = arith.constant 0 : i32
      %dma_start3A_174 = tpu.memref_slice %arg17[%add3A_18, %dma_start3A_173] : memref<10112x8xf32, #tpu.memory_space<vmem_shared>> -> memref<128x8xf32, #tpu.memory_space<vmem_shared>>
      %dma_start3A_175 = arith.constant 128 : i32
      %dma_start3A_176 = arith.constant 0 : i32
      %dma_start3A_177 = tpu.memref_slice %arg15[%dma_start3A_175, %dma_start3A_176] : memref<256x8xf32, #tpu.memory_space<vmem>> -> memref<128x8xf32, #tpu.memory_space<vmem>>
      tpu.enqueue_dma source(%dma_start3A_177 : memref<128x8xf32, #tpu.memory_space<vmem>>) target(%dma_start3A_174 : memref<128x8xf32, #tpu.memory_space<vmem_shared>>) target_semaphore(%run_scoped3A : memref<!tpu.dma_semaphore, #tpu.memory_space<semaphore_mem>>)
      %dma_wait3A_178 = arith.constant 128 : i32
      %dma_wait3A_179 = arith.constant 0 : i32
      %dma_wait3A_180 = tpu.memref_slice %arg15[%dma_wait3A_178, %dma_wait3A_179] : memref<256x8xf32, #tpu.memory_space<vmem>> -> memref<128x8xf32, #tpu.memory_space<vmem>>
      %dma_wait3A_181 = arith.constant 0 : i32
      %dma_wait3A_182 = tpu.memref_slice %arg17[%add3A_18, %dma_wait3A_181] : memref<10112x8xf32, #tpu.memory_space<vmem_shared>> -> memref<128x8xf32, #tpu.memory_space<vmem_shared>>
      %dma_wait3A_183 = arith.constant 0 : i32
      %dma_wait3A_184 = tpu.memref_slice %arg17[%add3A_18, %dma_wait3A_183] : memref<10112x8xf32, #tpu.memory_space<vmem_shared>> -> memref<128x8xf32, #tpu.memory_space<vmem_shared>>
      %dma_wait3A_185 = arith.constant 128 : i32
      %dma_wait3A_186 = arith.constant 0 : i32
      %dma_wait3A_187 = tpu.memref_slice %arg15[%dma_wait3A_185, %dma_wait3A_186] : memref<256x8xf32, #tpu.memory_space<vmem>> -> memref<128x8xf32, #tpu.memory_space<vmem>>
      tpu.wait_dma2 semaphore(%run_scoped3A : memref<!tpu.dma_semaphore, #tpu.memory_space<semaphore_mem>>) src(%dma_wait3A_187 : memref<128x8xf32, #tpu.memory_space<vmem>>) dst(%dma_wait3A_184 : memref<128x8xf32, #tpu.memory_space<vmem_shared>>)
      tpu.yield
    }) : () -> ()
    %add3A_19 = arith.constant 384 : i32
    %add3A_20 = arith.addi %mul3A_0, %add3A_19 : i32
    "tpu.region"() ({
      %run_scoped3A = tpu.sem_alloc : memref<!tpu.dma_semaphore, #tpu.memory_space<semaphore_mem>>
      %dma_start3A_168 = arith.constant 0 : i32
      %dma_start3A_169 = arith.constant 0 : i32
      %dma_start3A_170 = tpu.memref_slice %arg10[%dma_start3A_168, %dma_start3A_169] : memref<128x128xbf16, #tpu.memory_space<vmem>> -> memref<128x128xbf16, #tpu.memory_space<vmem>>
      %dma_start3A_171 = arith.constant 0 : i32
      %dma_start3A_172 = tpu.memref_slice %arg16[%add3A_20, %dma_start3A_171] : memref<10112x128xbf16, #tpu.memory_space<vmem_shared>> -> memref<128x128xbf16, #tpu.memory_space<vmem_shared>>
      %dma_start3A_173 = arith.constant 0 : i32
      %dma_start3A_174 = tpu.memref_slice %arg16[%add3A_20, %dma_start3A_173] : memref<10112x128xbf16, #tpu.memory_space<vmem_shared>> -> memref<128x128xbf16, #tpu.memory_space<vmem_shared>>
      %dma_start3A_175 = arith.constant 0 : i32
      %dma_start3A_176 = arith.constant 0 : i32
      %dma_start3A_177 = tpu.memref_slice %arg10[%dma_start3A_175, %dma_start3A_176] : memref<128x128xbf16, #tpu.memory_space<vmem>> -> memref<128x128xbf16, #tpu.memory_space<vmem>>
      tpu.enqueue_dma source(%dma_start3A_177 : memref<128x128xbf16, #tpu.memory_space<vmem>>) target(%dma_start3A_174 : memref<128x128xbf16, #tpu.memory_space<vmem_shared>>) target_semaphore(%run_scoped3A : memref<!tpu.dma_semaphore, #tpu.memory_space<semaphore_mem>>)
      %dma_wait3A_178 = arith.constant 0 : i32
      %dma_wait3A_179 = arith.constant 0 : i32
      %dma_wait3A_180 = tpu.memref_slice %arg10[%dma_wait3A_178, %dma_wait3A_179] : memref<128x128xbf16, #tpu.memory_space<vmem>> -> memref<128x128xbf16, #tpu.memory_space<vmem>>
      %dma_wait3A_181 = arith.constant 0 : i32
      %dma_wait3A_182 = tpu.memref_slice %arg16[%add3A_20, %dma_wait3A_181] : memref<10112x128xbf16, #tpu.memory_space<vmem_shared>> -> memref<128x128xbf16, #tpu.memory_space<vmem_shared>>
      %dma_wait3A_183 = arith.constant 0 : i32
      %dma_wait3A_184 = tpu.memref_slice %arg16[%add3A_20, %dma_wait3A_183] : memref<10112x128xbf16, #tpu.memory_space<vmem_shared>> -> memref<128x128xbf16, #tpu.memory_space<vmem_shared>>
      %dma_wait3A_185 = arith.constant 0 : i32
      %dma_wait3A_186 = arith.constant 0 : i32
      %dma_wait3A_187 = tpu.memref_slice %arg10[%dma_wait3A_185, %dma_wait3A_186] : memref<128x128xbf16, #tpu.memory_space<vmem>> -> memref<128x128xbf16, #tpu.memory_space<vmem>>
      tpu.wait_dma2 semaphore(%run_scoped3A : memref<!tpu.dma_semaphore, #tpu.memory_space<semaphore_mem>>) src(%dma_wait3A_187 : memref<128x128xbf16, #tpu.memory_space<vmem>>) dst(%dma_wait3A_184 : memref<128x128xbf16, #tpu.memory_space<vmem_shared>>)
      tpu.yield
    }) : () -> ()
    %add3A_21 = arith.constant 384 : i32
    %add3A_22 = arith.addi %mul3A_0, %add3A_21 : i32
    "tpu.region"() ({
      %run_scoped3A = tpu.sem_alloc : memref<!tpu.dma_semaphore, #tpu.memory_space<semaphore_mem>>
      %dma_start3A_168 = arith.constant 128 : i32
      %dma_start3A_169 = arith.constant 0 : i32
      %dma_start3A_170 = tpu.memref_slice %arg15[%dma_start3A_168, %dma_start3A_169] : memref<256x8xf32, #tpu.memory_space<vmem>> -> memref<128x8xf32, #tpu.memory_space<vmem>>
      %dma_start3A_171 = arith.constant 0 : i32
      %dma_start3A_172 = tpu.memref_slice %arg17[%add3A_22, %dma_start3A_171] : memref<10112x8xf32, #tpu.memory_space<vmem_shared>> -> memref<128x8xf32, #tpu.memory_space<vmem_shared>>
      %dma_start3A_173 = arith.constant 0 : i32
      %dma_start3A_174 = tpu.memref_slice %arg17[%add3A_22, %dma_start3A_173] : memref<10112x8xf32, #tpu.memory_space<vmem_shared>> -> memref<128x8xf32, #tpu.memory_space<vmem_shared>>
      %dma_start3A_175 = arith.constant 128 : i32
      %dma_start3A_176 = arith.constant 0 : i32
      %dma_start3A_177 = tpu.memref_slice %arg15[%dma_start3A_175, %dma_start3A_176] : memref<256x8xf32, #tpu.memory_space<vmem>> -> memref<128x8xf32, #tpu.memory_space<vmem>>
      tpu.enqueue_dma source(%dma_start3A_177 : memref<128x8xf32, #tpu.memory_space<vmem>>) target(%dma_start3A_174 : memref<128x8xf32, #tpu.memory_space<vmem_shared>>) target_semaphore(%run_scoped3A : memref<!tpu.dma_semaphore, #tpu.memory_space<semaphore_mem>>)
      %dma_wait3A_178 = arith.constant 128 : i32
      %dma_wait3A_179 = arith.constant 0 : i32
      %dma_wait3A_180 = tpu.memref_slice %arg15[%dma_wait3A_178, %dma_wait3A_179] : memref<256x8xf32, #tpu.memory_space<vmem>> -> memref<128x8xf32, #tpu.memory_space<vmem>>
      %dma_wait3A_181 = arith.constant 0 : i32
      %dma_wait3A_182 = tpu.memref_slice %arg17[%add3A_22, %dma_wait3A_181] : memref<10112x8xf32, #tpu.memory_space<vmem_shared>> -> memref<128x8xf32, #tpu.memory_space<vmem_shared>>
      %dma_wait3A_183 = arith.constant 0 : i32
      %dma_wait3A_184 = tpu.memref_slice %arg17[%add3A_22, %dma_wait3A_183] : memref<10112x8xf32, #tpu.memory_space<vmem_shared>> -> memref<128x8xf32, #tpu.memory_space<vmem_shared>>
      %dma_wait3A_185 = arith.constant 128 : i32
      %dma_wait3A_186 = arith.constant 0 : i32
      %dma_wait3A_187 = tpu.memref_slice %arg15[%dma_wait3A_185, %dma_wait3A_186] : memref<256x8xf32, #tpu.memory_space<vmem>> -> memref<128x8xf32, #tpu.memory_space<vmem>>
      tpu.wait_dma2 semaphore(%run_scoped3A : memref<!tpu.dma_semaphore, #tpu.memory_space<semaphore_mem>>) src(%dma_wait3A_187 : memref<128x8xf32, #tpu.memory_space<vmem>>) dst(%dma_wait3A_184 : memref<128x8xf32, #tpu.memory_space<vmem_shared>>)
      tpu.yield
    }) : () -> ()
    %add3A_23 = arith.constant 512 : i32
    %add3A_24 = arith.addi %mul3A_0, %add3A_23 : i32
    "tpu.region"() ({
      %run_scoped3A = tpu.sem_alloc : memref<!tpu.dma_semaphore, #tpu.memory_space<semaphore_mem>>
      %dma_start3A_168 = arith.constant 0 : i32
      %dma_start3A_169 = arith.constant 0 : i32
      %dma_start3A_170 = tpu.memref_slice %arg10[%dma_start3A_168, %dma_start3A_169] : memref<128x128xbf16, #tpu.memory_space<vmem>> -> memref<120x128xbf16, #tpu.memory_space<vmem>>
      %dma_start3A_171 = arith.constant 0 : i32
      %dma_start3A_172 = tpu.memref_slice %arg16[%add3A_24, %dma_start3A_171] : memref<10112x128xbf16, #tpu.memory_space<vmem_shared>> -> memref<120x128xbf16, #tpu.memory_space<vmem_shared>>
      %dma_start3A_173 = arith.constant 0 : i32
      %dma_start3A_174 = tpu.memref_slice %arg16[%add3A_24, %dma_start3A_173] : memref<10112x128xbf16, #tpu.memory_space<vmem_shared>> -> memref<120x128xbf16, #tpu.memory_space<vmem_shared>>
      %dma_start3A_175 = arith.constant 0 : i32
      %dma_start3A_176 = arith.constant 0 : i32
      %dma_start3A_177 = tpu.memref_slice %arg10[%dma_start3A_175, %dma_start3A_176] : memref<128x128xbf16, #tpu.memory_space<vmem>> -> memref<120x128xbf16, #tpu.memory_space<vmem>>
      tpu.enqueue_dma source(%dma_start3A_177 : memref<120x128xbf16, #tpu.memory_space<vmem>>) target(%dma_start3A_174 : memref<120x128xbf16, #tpu.memory_space<vmem_shared>>) target_semaphore(%run_scoped3A : memref<!tpu.dma_semaphore, #tpu.memory_space<semaphore_mem>>)
      %dma_wait3A_178 = arith.constant 0 : i32
      %dma_wait3A_179 = arith.constant 0 : i32
      %dma_wait3A_180 = tpu.memref_slice %arg10[%dma_wait3A_178, %dma_wait3A_179] : memref<128x128xbf16, #tpu.memory_space<vmem>> -> memref<120x128xbf16, #tpu.memory_space<vmem>>
      %dma_wait3A_181 = arith.constant 0 : i32
      %dma_wait3A_182 = tpu.memref_slice %arg16[%add3A_24, %dma_wait3A_181] : memref<10112x128xbf16, #tpu.memory_space<vmem_shared>> -> memref<120x128xbf16, #tpu.memory_space<vmem_shared>>
      %dma_wait3A_183 = arith.constant 0 : i32
      %dma_wait3A_184 = tpu.memref_slice %arg16[%add3A_24, %dma_wait3A_183] : memref<10112x128xbf16, #tpu.memory_space<vmem_shared>> -> memref<120x128xbf16, #tpu.memory_space<vmem_shared>>
      %dma_wait3A_185 = arith.constant 0 : i32
      %dma_wait3A_186 = arith.constant 0 : i32
      %dma_wait3A_187 = tpu.memref_slice %arg10[%dma_wait3A_185, %dma_wait3A_186] : memref<128x128xbf16, #tpu.memory_space<vmem>> -> memref<120x128xbf16, #tpu.memory_space<vmem>>
      tpu.wait_dma2 semaphore(%run_scoped3A : memref<!tpu.dma_semaphore, #tpu.memory_space<semaphore_mem>>) src(%dma_wait3A_187 : memref<120x128xbf16, #tpu.memory_space<vmem>>) dst(%dma_wait3A_184 : memref<120x128xbf16, #tpu.memory_space<vmem_shared>>)
      tpu.yield
    }) : () -> ()
    %add3A_25 = arith.constant 512 : i32
    %add3A_26 = arith.addi %mul3A_0, %add3A_25 : i32
    "tpu.region"() ({
      %run_scoped3A = tpu.sem_alloc : memref<!tpu.dma_semaphore, #tpu.memory_space<semaphore_mem>>
      %dma_start3A_168 = arith.constant 128 : i32
      %dma_start3A_169 = arith.constant 0 : i32
      %dma_start3A_170 = tpu.memref_slice %arg15[%dma_start3A_168, %dma_start3A_169] : memref<256x8xf32, #tpu.memory_space<vmem>> -> memref<120x8xf32, #tpu.memory_space<vmem>>
      %dma_start3A_171 = arith.constant 0 : i32
      %dma_start3A_172 = tpu.memref_slice %arg17[%add3A_26, %dma_start3A_171] : memref<10112x8xf32, #tpu.memory_space<vmem_shared>> -> memref<120x8xf32, #tpu.memory_space<vmem_shared>>
      %dma_start3A_173 = arith.constant 0 : i32
      %dma_start3A_174 = tpu.memref_slice %arg17[%add3A_26, %dma_start3A_173] : memref<10112x8xf32, #tpu.memory_space<vmem_shared>> -> memref<120x8xf32, #tpu.memory_space<vmem_shared>>
      %dma_start3A_175 = arith.constant 128 : i32
      %dma_start3A_176 = arith.constant 0 : i32
      %dma_start3A_177 = tpu.memref_slice %arg15[%dma_start3A_175, %dma_start3A_176] : memref<256x8xf32, #tpu.memory_space<vmem>> -> memref<120x8xf32, #tpu.memory_space<vmem>>
      tpu.enqueue_dma source(%dma_start3A_177 : memref<120x8xf32, #tpu.memory_space<vmem>>) target(%dma_start3A_174 : memref<120x8xf32, #tpu.memory_space<vmem_shared>>) target_semaphore(%run_scoped3A : memref<!tpu.dma_semaphore, #tpu.memory_space<semaphore_mem>>)
      %dma_wait3A_178 = arith.constant 128 : i32
      %dma_wait3A_179 = arith.constant 0 : i32
      %dma_wait3A_180 = tpu.memref_slice %arg15[%dma_wait3A_178, %dma_wait3A_179] : memref<256x8xf32, #tpu.memory_space<vmem>> -> memref<120x8xf32, #tpu.memory_space<vmem>>
      %dma_wait3A_181 = arith.constant 0 : i32
      %dma_wait3A_182 = tpu.memref_slice %arg17[%add3A_26, %dma_wait3A_181] : memref<10112x8xf32, #tpu.memory_space<vmem_shared>> -> memref<120x8xf32, #tpu.memory_space<vmem_shared>>
      %dma_wait3A_183 = arith.constant 0 : i32
      %dma_wait3A_184 = tpu.memref_slice %arg17[%add3A_26, %dma_wait3A_183] : memref<10112x8xf32, #tpu.memory_space<vmem_shared>> -> memref<120x8xf32, #tpu.memory_space<vmem_shared>>
      %dma_wait3A_185 = arith.constant 128 : i32
      %dma_wait3A_186 = arith.constant 0 : i32
      %dma_wait3A_187 = tpu.memref_slice %arg15[%dma_wait3A_185, %dma_wait3A_186] : memref<256x8xf32, #tpu.memory_space<vmem>> -> memref<120x8xf32, #tpu.memory_space<vmem>>
      tpu.wait_dma2 semaphore(%run_scoped3A : memref<!tpu.dma_semaphore, #tpu.memory_space<semaphore_mem>>) src(%dma_wait3A_187 : memref<120x8xf32, #tpu.memory_space<vmem>>) dst(%dma_wait3A_184 : memref<120x8xf32, #tpu.memory_space<vmem_shared>>)
      tpu.yield
    }) : () -> ()
    "tpu.region"() ({
      %run_scoped3A = tpu.sem_alloc : memref<!tpu.dma_semaphore, #tpu.memory_space<semaphore_mem>>
      %dma_start3A_168 = arith.constant 0 : i32
      %dma_start3A_169 = arith.constant 0 : i32
      %dma_start3A_170 = tpu.memref_slice %arg3[%arg1, %dma_start3A_168, %dma_start3A_169] : memref<16x80x128xi32, #tpu.memory_space<hbm>> -> memref<1x80x128xi32, #tpu.memory_space<hbm>>
      %dma_start3A_171 = tpu.memref_squeeze %dma_start3A_170 : memref<1x80x128xi32, #tpu.memory_space<hbm>> -> memref<80x128xi32, #tpu.memory_space<hbm>>
      %dma_start3A_172 = arith.constant 0 : i32
      %dma_start3A_173 = arith.constant 0 : i32
      %dma_start3A_174 = tpu.memref_slice %arg3[%arg1, %dma_start3A_172, %dma_start3A_173] : memref<16x80x128xi32, #tpu.memory_space<hbm>> -> memref<1x80x128xi32, #tpu.memory_space<hbm>>
      %dma_start3A_175 = tpu.memref_squeeze %dma_start3A_174 : memref<1x80x128xi32, #tpu.memory_space<hbm>> -> memref<80x128xi32, #tpu.memory_space<hbm>>
      tpu.enqueue_dma source(%dma_start3A_175 : memref<80x128xi32, #tpu.memory_space<hbm>>) target(%arg8 : memref<80x128xi32, #tpu.memory_space<vmem>>) target_semaphore(%run_scoped3A : memref<!tpu.dma_semaphore, #tpu.memory_space<semaphore_mem>>)
      %dma_wait3A_176 = arith.constant 0 : i32
      %dma_wait3A_177 = arith.constant 0 : i32
      %dma_wait3A_178 = tpu.memref_slice %arg3[%arg1, %dma_wait3A_176, %dma_wait3A_177] : memref<16x80x128xi32, #tpu.memory_space<hbm>> -> memref<1x80x128xi32, #tpu.memory_space<hbm>>
      %dma_wait3A_179 = tpu.memref_squeeze %dma_wait3A_178 : memref<1x80x128xi32, #tpu.memory_space<hbm>> -> memref<80x128xi32, #tpu.memory_space<hbm>>
      %dma_wait3A_180 = arith.constant 0 : i32
      %dma_wait3A_181 = arith.constant 0 : i32
      %dma_wait3A_182 = tpu.memref_slice %arg3[%arg1, %dma_wait3A_180, %dma_wait3A_181] : memref<16x80x128xi32, #tpu.memory_space<hbm>> -> memref<1x80x128xi32, #tpu.memory_space<hbm>>
      %dma_wait3A_183 = tpu.memref_squeeze %dma_wait3A_182 : memref<1x80x128xi32, #tpu.memory_space<hbm>> -> memref<80x128xi32, #tpu.memory_space<hbm>>
      tpu.wait_dma2 semaphore(%run_scoped3A : memref<!tpu.dma_semaphore, #tpu.memory_space<semaphore_mem>>) src(%dma_wait3A_183 : memref<80x128xi32, #tpu.memory_space<hbm>>) dst(%arg8 : memref<80x128xi32, #tpu.memory_space<vmem>>)
      tpu.yield
    }) : () -> ()
    "tpu.region"() ({
      %run_scoped3A = tpu.sem_alloc : memref<!tpu.dma_semaphore, #tpu.memory_space<semaphore_mem>>
      %dma_start3A_168 = arith.constant 0 : i32
      %dma_start3A_169 = arith.constant 0 : i32
      %dma_start3A_170 = tpu.memref_slice %arg4[%arg1, %dma_start3A_168, %dma_start3A_169] : memref<16x80x128xi32, #tpu.memory_space<hbm>> -> memref<1x80x128xi32, #tpu.memory_space<hbm>>
      %dma_start3A_171 = tpu.memref_squeeze %dma_start3A_170 : memref<1x80x128xi32, #tpu.memory_space<hbm>> -> memref<80x128xi32, #tpu.memory_space<hbm>>
      %dma_start3A_172 = arith.constant 0 : i32
      %dma_start3A_173 = arith.constant 0 : i32
      %dma_start3A_174 = tpu.memref_slice %arg4[%arg1, %dma_start3A_172, %dma_start3A_173] : memref<16x80x128xi32, #tpu.memory_space<hbm>> -> memref<1x80x128xi32, #tpu.memory_space<hbm>>
      %dma_start3A_175 = tpu.memref_squeeze %dma_start3A_174 : memref<1x80x128xi32, #tpu.memory_space<hbm>> -> memref<80x128xi32, #tpu.memory_space<hbm>>
      tpu.enqueue_dma source(%dma_start3A_175 : memref<80x128xi32, #tpu.memory_space<hbm>>) target(%arg9 : memref<80x128xi32, #tpu.memory_space<vmem>>) target_semaphore(%run_scoped3A : memref<!tpu.dma_semaphore, #tpu.memory_space<semaphore_mem>>)
      %dma_wait3A_176 = arith.constant 0 : i32
      %dma_wait3A_177 = arith.constant 0 : i32
      %dma_wait3A_178 = tpu.memref_slice %arg4[%arg1, %dma_wait3A_176, %dma_wait3A_177] : memref<16x80x128xi32, #tpu.memory_space<hbm>> -> memref<1x80x128xi32, #tpu.memory_space<hbm>>
      %dma_wait3A_179 = tpu.memref_squeeze %dma_wait3A_178 : memref<1x80x128xi32, #tpu.memory_space<hbm>> -> memref<80x128xi32, #tpu.memory_space<hbm>>
      %dma_wait3A_180 = arith.constant 0 : i32
      %dma_wait3A_181 = arith.constant 0 : i32
      %dma_wait3A_182 = tpu.memref_slice %arg4[%arg1, %dma_wait3A_180, %dma_wait3A_181] : memref<16x80x128xi32, #tpu.memory_space<hbm>> -> memref<1x80x128xi32, #tpu.memory_space<hbm>>
      %dma_wait3A_183 = tpu.memref_squeeze %dma_wait3A_182 : memref<1x80x128xi32, #tpu.memory_space<hbm>> -> memref<80x128xi32, #tpu.memory_space<hbm>>
      tpu.wait_dma2 semaphore(%run_scoped3A : memref<!tpu.dma_semaphore, #tpu.memory_space<semaphore_mem>>) src(%dma_wait3A_183 : memref<80x128xi32, #tpu.memory_space<hbm>>) dst(%arg9 : memref<80x128xi32, #tpu.memory_space<vmem>>)
      tpu.yield
    }) : () -> ()
    %barrier3A = arith.constant 0 : index
    tpu.barrier barrier_id(%barrier3A)
    %dma_start3A = arith.constant 0 : i32
    %dma_start3A_27 = arith.constant 0 : i32
    %dma_start3A_28 = tpu.memref_slice %arg8[%dma_start3A, %dma_start3A_27] : memref<80x128xi32, #tpu.memory_space<vmem>> -> memref<1x128xi32, #tpu.memory_space<vmem>>
    %dma_start3A_29 = tpu.memref_squeeze %dma_start3A_28 : memref<1x128xi32, #tpu.memory_space<vmem>> -> memref<128xi32, #tpu.memory_space<vmem>>
    %dma_start3A_30 = arith.constant 0 : i32
    %dma_start3A_31 = tpu.memref_slice %arg2[%arg0, %dma_start3A_30] : memref<20002x128xbf16, #tpu.memory_space<hbm>> -> memref<40003x128xbf16, #tpu.memory_space<hbm>>
    %dma_start3A_32 = arith.constant 0 : i32
    %dma_start3A_33 = arith.constant 0 : i32
    %dma_start3A_34 = tpu.memref_slice %dma_start3A_31[%dma_start3A_32, %dma_start3A_33] : memref<40003x128xbf16, #tpu.memory_space<hbm>> -> memref<40003x128xbf16, #tpu.memory_space<hbm>>
    tpu.enqueue_indirect_dma source(%dma_start3A_34 : memref<40003x128xbf16, #tpu.memory_space<hbm>>) target(%arg11 : memref<128x128xbf16, #tpu.memory_space<vmem>>) offsets(%dma_start3A_29 : memref<128xi32, #tpu.memory_space<vmem>>) semaphore(%arg18 : memref<!tpu.dma_semaphore, #tpu.memory_space<semaphore_mem>>)
    %dma_start3A_35 = arith.constant 1 : i32
    %dma_start3A_36 = arith.constant 0 : i32
    %dma_start3A_37 = tpu.memref_slice %arg8[%dma_start3A_35, %dma_start3A_36] : memref<80x128xi32, #tpu.memory_space<vmem>> -> memref<1x128xi32, #tpu.memory_space<vmem>>
    %dma_start3A_38 = tpu.memref_squeeze %dma_start3A_37 : memref<1x128xi32, #tpu.memory_space<vmem>> -> memref<128xi32, #tpu.memory_space<vmem>>
    %dma_start3A_39 = arith.constant 0 : i32
    %dma_start3A_40 = tpu.memref_slice %arg2[%arg0, %dma_start3A_39] : memref<20002x128xbf16, #tpu.memory_space<hbm>> -> memref<40003x128xbf16, #tpu.memory_space<hbm>>
    %dma_start3A_41 = arith.constant 0 : i32
    %dma_start3A_42 = arith.constant 0 : i32
    %dma_start3A_43 = tpu.memref_slice %dma_start3A_40[%dma_start3A_41, %dma_start3A_42] : memref<40003x128xbf16, #tpu.memory_space<hbm>> -> memref<40003x128xbf16, #tpu.memory_space<hbm>>
    tpu.enqueue_indirect_dma source(%dma_start3A_43 : memref<40003x128xbf16, #tpu.memory_space<hbm>>) target(%arg12 : memref<128x128xbf16, #tpu.memory_space<vmem>>) offsets(%dma_start3A_38 : memref<128xi32, #tpu.memory_space<vmem>>) semaphore(%arg19 : memref<!tpu.dma_semaphore, #tpu.memory_space<semaphore_mem>>)
    %dma_start3A_44 = arith.constant 2 : i32
    %dma_start3A_45 = arith.constant 0 : i32
    %dma_start3A_46 = tpu.memref_slice %arg8[%dma_start3A_44, %dma_start3A_45] : memref<80x128xi32, #tpu.memory_space<vmem>> -> memref<1x128xi32, #tpu.memory_space<vmem>>
    %dma_start3A_47 = tpu.memref_squeeze %dma_start3A_46 : memref<1x128xi32, #tpu.memory_space<vmem>> -> memref<128xi32, #tpu.memory_space<vmem>>
    %dma_start3A_48 = arith.constant 0 : i32
    %dma_start3A_49 = tpu.memref_slice %arg2[%arg0, %dma_start3A_48] : memref<20002x128xbf16, #tpu.memory_space<hbm>> -> memref<40003x128xbf16, #tpu.memory_space<hbm>>
    %dma_start3A_50 = arith.constant 0 : i32
    %dma_start3A_51 = arith.constant 0 : i32
    %dma_start3A_52 = tpu.memref_slice %dma_start3A_49[%dma_start3A_50, %dma_start3A_51] : memref<40003x128xbf16, #tpu.memory_space<hbm>> -> memref<40003x128xbf16, #tpu.memory_space<hbm>>
    tpu.enqueue_indirect_dma source(%dma_start3A_52 : memref<40003x128xbf16, #tpu.memory_space<hbm>>) target(%arg13 : memref<128x128xbf16, #tpu.memory_space<vmem>>) offsets(%dma_start3A_47 : memref<128xi32, #tpu.memory_space<vmem>>) semaphore(%arg20 : memref<!tpu.dma_semaphore, #tpu.memory_space<semaphore_mem>>)
    %dma_start3A_53 = arith.constant 3 : i32
    %dma_start3A_54 = arith.constant 0 : i32
    %dma_start3A_55 = tpu.memref_slice %arg8[%dma_start3A_53, %dma_start3A_54] : memref<80x128xi32, #tpu.memory_space<vmem>> -> memref<1x128xi32, #tpu.memory_space<vmem>>
    %dma_start3A_56 = tpu.memref_squeeze %dma_start3A_55 : memref<1x128xi32, #tpu.memory_space<vmem>> -> memref<128xi32, #tpu.memory_space<vmem>>
    %dma_start3A_57 = arith.constant 0 : i32
    %dma_start3A_58 = tpu.memref_slice %arg2[%arg0, %dma_start3A_57] : memref<20002x128xbf16, #tpu.memory_space<hbm>> -> memref<40003x128xbf16, #tpu.memory_space<hbm>>
    %dma_start3A_59 = arith.constant 0 : i32
    %dma_start3A_60 = arith.constant 0 : i32
    %dma_start3A_61 = tpu.memref_slice %dma_start3A_58[%dma_start3A_59, %dma_start3A_60] : memref<40003x128xbf16, #tpu.memory_space<hbm>> -> memref<40003x128xbf16, #tpu.memory_space<hbm>>
    tpu.enqueue_indirect_dma source(%dma_start3A_61 : memref<40003x128xbf16, #tpu.memory_space<hbm>>) target(%arg14 : memref<128x128xbf16, #tpu.memory_space<vmem>>) offsets(%dma_start3A_56 : memref<128xi32, #tpu.memory_space<vmem>>) semaphore(%arg21 : memref<!tpu.dma_semaphore, #tpu.memory_space<semaphore_mem>>)
    %scan3A_62 = arith.constant 0 : i32
    %scan3A_63 = arith.constant 0 : i32
    %scan3A_64 = arith.constant 19 : i32
    %scan3A_65 = arith.addi %scan3A_63, %scan3A_64 : i32
    %scan3A_66 = arith.constant 1 : i32
    %scan3A_67 = scf.for %scan3A_168 = %scan3A_63 to %scan3A_65 step %scan3A_66 iter_args(%scan3A_169 = %scan3A_62) -> (i32)  : i32 {
      %mul3A_170 = arith.constant 4 : i32
      %mul3A_171 = arith.muli %mul3A_170, %scan3A_168 : i32
      %dma_wait3A_172 = arith.constant 0 : i32
      %dma_wait3A_173 = arith.constant 0 : i32
      %dma_wait3A_174 = tpu.memref_slice %arg8[%dma_wait3A_172, %dma_wait3A_173] : memref<80x128xi32, #tpu.memory_space<vmem>> -> memref<1x128xi32, #tpu.memory_space<vmem>>
      %dma_wait3A_175 = tpu.memref_squeeze %dma_wait3A_174 : memref<1x128xi32, #tpu.memory_space<vmem>> -> memref<128xi32, #tpu.memory_space<vmem>>
      %dma_wait3A_176 = arith.constant 0 : i32
      %dma_wait3A_177 = tpu.memref_slice %arg2[%arg0, %dma_wait3A_176] : memref<20002x128xbf16, #tpu.memory_space<hbm>> -> memref<40003x128xbf16, #tpu.memory_space<hbm>>
      %dma_wait3A_178 = arith.constant 0 : i32
      %dma_wait3A_179 = arith.constant 0 : i32
      %dma_wait3A_180 = tpu.memref_slice %dma_wait3A_177[%dma_wait3A_178, %dma_wait3A_179] : memref<40003x128xbf16, #tpu.memory_space<hbm>> -> memref<40003x128xbf16, #tpu.memory_space<hbm>>
      tpu.wait_indirect_dma semaphore(%arg18 : memref<!tpu.dma_semaphore, #tpu.memory_space<semaphore_mem>>) src(%dma_wait3A_180 : memref<40003x128xbf16, #tpu.memory_space<hbm>>) dst(%arg11 : memref<128x128xbf16, #tpu.memory_space<vmem>>)
      %add3A_181 = arith.constant 0 : i32
      %add3A_182 = arith.addi %mul3A_171, %add3A_181 : i32
      %dma_start3A_183 = arith.constant 0 : i32
      %dma_start3A_184 = tpu.memref_slice %arg9[%add3A_182, %dma_start3A_183] : memref<80x128xi32, #tpu.memory_space<vmem>> -> memref<1x128xi32, #tpu.memory_space<vmem>>
      %dma_start3A_185 = tpu.memref_squeeze %dma_start3A_184 : memref<1x128xi32, #tpu.memory_space<vmem>> -> memref<128xi32, #tpu.memory_space<vmem>>
      %dma_start3A_186 = arith.constant 0 : i32
      %dma_start3A_187 = arith.constant 0 : i32
      %dma_start3A_188 = tpu.memref_slice %arg16[%dma_start3A_186, %dma_start3A_187] : memref<10112x128xbf16, #tpu.memory_space<vmem_shared>> -> memref<10112x128xbf16, #tpu.memory_space<vmem_shared>>
      tpu.enqueue_indirect_dma source(%arg11 : memref<128x128xbf16, #tpu.memory_space<vmem>>) target(%dma_start3A_188 : memref<10112x128xbf16, #tpu.memory_space<vmem_shared>>) offsets(%dma_start3A_185 : memref<128xi32, #tpu.memory_space<vmem>>) semaphore(%arg22 : memref<!tpu.dma_semaphore, #tpu.memory_space<semaphore_mem>>) {add = true}
      %dma_wait3A_189 = arith.constant 0 : i32
      %dma_wait3A_190 = arith.constant 0 : i32
      %dma_wait3A_191 = tpu.memref_slice %arg8[%dma_wait3A_189, %dma_wait3A_190] : memref<80x128xi32, #tpu.memory_space<vmem>> -> memref<1x128xi32, #tpu.memory_space<vmem>>
      %dma_wait3A_192 = tpu.memref_squeeze %dma_wait3A_191 : memref<1x128xi32, #tpu.memory_space<vmem>> -> memref<128xi32, #tpu.memory_space<vmem>>
      %dma_wait3A_193 = arith.constant 0 : i32
      %dma_wait3A_194 = tpu.memref_slice %arg2[%arg0, %dma_wait3A_193] : memref<20002x128xbf16, #tpu.memory_space<hbm>> -> memref<40003x128xbf16, #tpu.memory_space<hbm>>
      %dma_wait3A_195 = arith.constant 0 : i32
      %dma_wait3A_196 = arith.constant 0 : i32
      %dma_wait3A_197 = tpu.memref_slice %dma_wait3A_194[%dma_wait3A_195, %dma_wait3A_196] : memref<40003x128xbf16, #tpu.memory_space<hbm>> -> memref<40003x128xbf16, #tpu.memory_space<hbm>>
      tpu.wait_indirect_dma semaphore(%arg19 : memref<!tpu.dma_semaphore, #tpu.memory_space<semaphore_mem>>) src(%dma_wait3A_197 : memref<40003x128xbf16, #tpu.memory_space<hbm>>) dst(%arg12 : memref<128x128xbf16, #tpu.memory_space<vmem>>)
      %add3A_198 = arith.constant 1 : i32
      %add3A_199 = arith.addi %mul3A_171, %add3A_198 : i32
      %dma_start3A_200 = arith.constant 0 : i32
      %dma_start3A_201 = tpu.memref_slice %arg9[%add3A_199, %dma_start3A_200] : memref<80x128xi32, #tpu.memory_space<vmem>> -> memref<1x128xi32, #tpu.memory_space<vmem>>
      %dma_start3A_202 = tpu.memref_squeeze %dma_start3A_201 : memref<1x128xi32, #tpu.memory_space<vmem>> -> memref<128xi32, #tpu.memory_space<vmem>>
      %dma_start3A_203 = arith.constant 0 : i32
      %dma_start3A_204 = arith.constant 0 : i32
      %dma_start3A_205 = tpu.memref_slice %arg16[%dma_start3A_203, %dma_start3A_204] : memref<10112x128xbf16, #tpu.memory_space<vmem_shared>> -> memref<10112x128xbf16, #tpu.memory_space<vmem_shared>>
      tpu.enqueue_indirect_dma source(%arg12 : memref<128x128xbf16, #tpu.memory_space<vmem>>) target(%dma_start3A_205 : memref<10112x128xbf16, #tpu.memory_space<vmem_shared>>) offsets(%dma_start3A_202 : memref<128xi32, #tpu.memory_space<vmem>>) semaphore(%arg23 : memref<!tpu.dma_semaphore, #tpu.memory_space<semaphore_mem>>) {add = true}
      %dma_wait3A_206 = arith.constant 0 : i32
      %dma_wait3A_207 = arith.constant 0 : i32
      %dma_wait3A_208 = tpu.memref_slice %arg8[%dma_wait3A_206, %dma_wait3A_207] : memref<80x128xi32, #tpu.memory_space<vmem>> -> memref<1x128xi32, #tpu.memory_space<vmem>>
      %dma_wait3A_209 = tpu.memref_squeeze %dma_wait3A_208 : memref<1x128xi32, #tpu.memory_space<vmem>> -> memref<128xi32, #tpu.memory_space<vmem>>
      %dma_wait3A_210 = arith.constant 0 : i32
      %dma_wait3A_211 = tpu.memref_slice %arg2[%arg0, %dma_wait3A_210] : memref<20002x128xbf16, #tpu.memory_space<hbm>> -> memref<40003x128xbf16, #tpu.memory_space<hbm>>
      %dma_wait3A_212 = arith.constant 0 : i32
      %dma_wait3A_213 = arith.constant 0 : i32
      %dma_wait3A_214 = tpu.memref_slice %dma_wait3A_211[%dma_wait3A_212, %dma_wait3A_213] : memref<40003x128xbf16, #tpu.memory_space<hbm>> -> memref<40003x128xbf16, #tpu.memory_space<hbm>>
      tpu.wait_indirect_dma semaphore(%arg20 : memref<!tpu.dma_semaphore, #tpu.memory_space<semaphore_mem>>) src(%dma_wait3A_214 : memref<40003x128xbf16, #tpu.memory_space<hbm>>) dst(%arg13 : memref<128x128xbf16, #tpu.memory_space<vmem>>)
      %add3A_215 = arith.constant 2 : i32
      %add3A_216 = arith.addi %mul3A_171, %add3A_215 : i32
      %dma_start3A_217 = arith.constant 0 : i32
      %dma_start3A_218 = tpu.memref_slice %arg9[%add3A_216, %dma_start3A_217] : memref<80x128xi32, #tpu.memory_space<vmem>> -> memref<1x128xi32, #tpu.memory_space<vmem>>
      %dma_start3A_219 = tpu.memref_squeeze %dma_start3A_218 : memref<1x128xi32, #tpu.memory_space<vmem>> -> memref<128xi32, #tpu.memory_space<vmem>>
      %dma_start3A_220 = arith.constant 0 : i32
      %dma_start3A_221 = arith.constant 0 : i32
      %dma_start3A_222 = tpu.memref_slice %arg16[%dma_start3A_220, %dma_start3A_221] : memref<10112x128xbf16, #tpu.memory_space<vmem_shared>> -> memref<10112x128xbf16, #tpu.memory_space<vmem_shared>>
      tpu.enqueue_indirect_dma source(%arg13 : memref<128x128xbf16, #tpu.memory_space<vmem>>) target(%dma_start3A_222 : memref<10112x128xbf16, #tpu.memory_space<vmem_shared>>) offsets(%dma_start3A_219 : memref<128xi32, #tpu.memory_space<vmem>>) semaphore(%arg24 : memref<!tpu.dma_semaphore, #tpu.memory_space<semaphore_mem>>) {add = true}
      %dma_wait3A_223 = arith.constant 0 : i32
      %dma_wait3A_224 = arith.constant 0 : i32
      %dma_wait3A_225 = tpu.memref_slice %arg8[%dma_wait3A_223, %dma_wait3A_224] : memref<80x128xi32, #tpu.memory_space<vmem>> -> memref<1x128xi32, #tpu.memory_space<vmem>>
      %dma_wait3A_226 = tpu.memref_squeeze %dma_wait3A_225 : memref<1x128xi32, #tpu.memory_space<vmem>> -> memref<128xi32, #tpu.memory_space<vmem>>
      %dma_wait3A_227 = arith.constant 0 : i32
      %dma_wait3A_228 = tpu.memref_slice %arg2[%arg0, %dma_wait3A_227] : memref<20002x128xbf16, #tpu.memory_space<hbm>> -> memref<40003x128xbf16, #tpu.memory_space<hbm>>
      %dma_wait3A_229 = arith.constant 0 : i32
      %dma_wait3A_230 = arith.constant 0 : i32
      %dma_wait3A_231 = tpu.memref_slice %dma_wait3A_228[%dma_wait3A_229, %dma_wait3A_230] : memref<40003x128xbf16, #tpu.memory_space<hbm>> -> memref<40003x128xbf16, #tpu.memory_space<hbm>>
      tpu.wait_indirect_dma semaphore(%arg21 : memref<!tpu.dma_semaphore, #tpu.memory_space<semaphore_mem>>) src(%dma_wait3A_231 : memref<40003x128xbf16, #tpu.memory_space<hbm>>) dst(%arg14 : memref<128x128xbf16, #tpu.memory_space<vmem>>)
      %add3A_232 = arith.constant 3 : i32
      %add3A_233 = arith.addi %mul3A_171, %add3A_232 : i32
      %dma_start3A_234 = arith.constant 0 : i32
      %dma_start3A_235 = tpu.memref_slice %arg9[%add3A_233, %dma_start3A_234] : memref<80x128xi32, #tpu.memory_space<vmem>> -> memref<1x128xi32, #tpu.memory_space<vmem>>
      %dma_start3A_236 = tpu.memref_squeeze %dma_start3A_235 : memref<1x128xi32, #tpu.memory_space<vmem>> -> memref<128xi32, #tpu.memory_space<vmem>>
      %dma_start3A_237 = arith.constant 0 : i32
      %dma_start3A_238 = arith.constant 0 : i32
      %dma_start3A_239 = tpu.memref_slice %arg16[%dma_start3A_237, %dma_start3A_238] : memref<10112x128xbf16, #tpu.memory_space<vmem_shared>> -> memref<10112x128xbf16, #tpu.memory_space<vmem_shared>>
      tpu.enqueue_indirect_dma source(%arg14 : memref<128x128xbf16, #tpu.memory_space<vmem>>) target(%dma_start3A_239 : memref<10112x128xbf16, #tpu.memory_space<vmem_shared>>) offsets(%dma_start3A_236 : memref<128xi32, #tpu.memory_space<vmem>>) semaphore(%arg25 : memref<!tpu.dma_semaphore, #tpu.memory_space<semaphore_mem>>) {add = true}
      %dma_wait3A_240 = arith.constant 0 : i32
      %dma_wait3A_241 = arith.constant 0 : i32
      %dma_wait3A_242 = tpu.memref_slice %arg9[%dma_wait3A_240, %dma_wait3A_241] : memref<80x128xi32, #tpu.memory_space<vmem>> -> memref<1x128xi32, #tpu.memory_space<vmem>>
      %dma_wait3A_243 = tpu.memref_squeeze %dma_wait3A_242 : memref<1x128xi32, #tpu.memory_space<vmem>> -> memref<128xi32, #tpu.memory_space<vmem>>
      %dma_wait3A_244 = arith.constant 0 : i32
      %dma_wait3A_245 = arith.constant 0 : i32
      %dma_wait3A_246 = tpu.memref_slice %arg16[%dma_wait3A_244, %dma_wait3A_245] : memref<10112x128xbf16, #tpu.memory_space<vmem_shared>> -> memref<10112x128xbf16, #tpu.memory_space<vmem_shared>>
      tpu.wait_indirect_dma semaphore(%arg22 : memref<!tpu.dma_semaphore, #tpu.memory_space<semaphore_mem>>) src(%arg11 : memref<128x128xbf16, #tpu.memory_space<vmem>>) dst(%dma_wait3A_246 : memref<10112x128xbf16, #tpu.memory_space<vmem_shared>>)
      %add3A_247 = arith.constant 4 : i32
      %add3A_248 = arith.addi %mul3A_171, %add3A_247 : i32
      %add3A_249 = arith.constant 0 : i32
      %add3A_250 = arith.addi %add3A_248, %add3A_249 : i32
      %dma_start3A_251 = arith.constant 0 : i32
      %dma_start3A_252 = tpu.memref_slice %arg8[%add3A_250, %dma_start3A_251] : memref<80x128xi32, #tpu.memory_space<vmem>> -> memref<1x128xi32, #tpu.memory_space<vmem>>
      %dma_start3A_253 = tpu.memref_squeeze %dma_start3A_252 : memref<1x128xi32, #tpu.memory_space<vmem>> -> memref<128xi32, #tpu.memory_space<vmem>>
      %dma_start3A_254 = arith.constant 0 : i32
      %dma_start3A_255 = tpu.memref_slice %arg2[%arg0, %dma_start3A_254] : memref<20002x128xbf16, #tpu.memory_space<hbm>> -> memref<40003x128xbf16, #tpu.memory_space<hbm>>
      %dma_start3A_256 = arith.constant 0 : i32
      %dma_start3A_257 = arith.constant 0 : i32
      %dma_start3A_258 = tpu.memref_slice %dma_start3A_255[%dma_start3A_256, %dma_start3A_257] : memref<40003x128xbf16, #tpu.memory_space<hbm>> -> memref<40003x128xbf16, #tpu.memory_space<hbm>>
      tpu.enqueue_indirect_dma source(%dma_start3A_258 : memref<40003x128xbf16, #tpu.memory_space<hbm>>) target(%arg11 : memref<128x128xbf16, #tpu.memory_space<vmem>>) offsets(%dma_start3A_253 : memref<128xi32, #tpu.memory_space<vmem>>) semaphore(%arg18 : memref<!tpu.dma_semaphore, #tpu.memory_space<semaphore_mem>>)
      %dma_wait3A_259 = arith.constant 0 : i32
      %dma_wait3A_260 = arith.constant 0 : i32
      %dma_wait3A_261 = tpu.memref_slice %arg9[%dma_wait3A_259, %dma_wait3A_260] : memref<80x128xi32, #tpu.memory_space<vmem>> -> memref<1x128xi32, #tpu.memory_space<vmem>>
      %dma_wait3A_262 = tpu.memref_squeeze %dma_wait3A_261 : memref<1x128xi32, #tpu.memory_space<vmem>> -> memref<128xi32, #tpu.memory_space<vmem>>
      %dma_wait3A_263 = arith.constant 0 : i32
      %dma_wait3A_264 = arith.constant 0 : i32
      %dma_wait3A_265 = tpu.memref_slice %arg16[%dma_wait3A_263, %dma_wait3A_264] : memref<10112x128xbf16, #tpu.memory_space<vmem_shared>> -> memref<10112x128xbf16, #tpu.memory_space<vmem_shared>>
      tpu.wait_indirect_dma semaphore(%arg23 : memref<!tpu.dma_semaphore, #tpu.memory_space<semaphore_mem>>) src(%arg12 : memref<128x128xbf16, #tpu.memory_space<vmem>>) dst(%dma_wait3A_265 : memref<10112x128xbf16, #tpu.memory_space<vmem_shared>>)
      %add3A_266 = arith.constant 4 : i32
      %add3A_267 = arith.addi %mul3A_171, %add3A_266 : i32
      %add3A_268 = arith.constant 1 : i32
      %add3A_269 = arith.addi %add3A_267, %add3A_268 : i32
      %dma_start3A_270 = arith.constant 0 : i32
      %dma_start3A_271 = tpu.memref_slice %arg8[%add3A_269, %dma_start3A_270] : memref<80x128xi32, #tpu.memory_space<vmem>> -> memref<1x128xi32, #tpu.memory_space<vmem>>
      %dma_start3A_272 = tpu.memref_squeeze %dma_start3A_271 : memref<1x128xi32, #tpu.memory_space<vmem>> -> memref<128xi32, #tpu.memory_space<vmem>>
      %dma_start3A_273 = arith.constant 0 : i32
      %dma_start3A_274 = tpu.memref_slice %arg2[%arg0, %dma_start3A_273] : memref<20002x128xbf16, #tpu.memory_space<hbm>> -> memref<40003x128xbf16, #tpu.memory_space<hbm>>
      %dma_start3A_275 = arith.constant 0 : i32
      %dma_start3A_276 = arith.constant 0 : i32
      %dma_start3A_277 = tpu.memref_slice %dma_start3A_274[%dma_start3A_275, %dma_start3A_276] : memref<40003x128xbf16, #tpu.memory_space<hbm>> -> memref<40003x128xbf16, #tpu.memory_space<hbm>>
      tpu.enqueue_indirect_dma source(%dma_start3A_277 : memref<40003x128xbf16, #tpu.memory_space<hbm>>) target(%arg12 : memref<128x128xbf16, #tpu.memory_space<vmem>>) offsets(%dma_start3A_272 : memref<128xi32, #tpu.memory_space<vmem>>) semaphore(%arg19 : memref<!tpu.dma_semaphore, #tpu.memory_space<semaphore_mem>>)
      %dma_wait3A_278 = arith.constant 0 : i32
      %dma_wait3A_279 = arith.constant 0 : i32
      %dma_wait3A_280 = tpu.memref_slice %arg9[%dma_wait3A_278, %dma_wait3A_279] : memref<80x128xi32, #tpu.memory_space<vmem>> -> memref<1x128xi32, #tpu.memory_space<vmem>>
      %dma_wait3A_281 = tpu.memref_squeeze %dma_wait3A_280 : memref<1x128xi32, #tpu.memory_space<vmem>> -> memref<128xi32, #tpu.memory_space<vmem>>
      %dma_wait3A_282 = arith.constant 0 : i32
      %dma_wait3A_283 = arith.constant 0 : i32
      %dma_wait3A_284 = tpu.memref_slice %arg16[%dma_wait3A_282, %dma_wait3A_283] : memref<10112x128xbf16, #tpu.memory_space<vmem_shared>> -> memref<10112x128xbf16, #tpu.memory_space<vmem_shared>>
      tpu.wait_indirect_dma semaphore(%arg24 : memref<!tpu.dma_semaphore, #tpu.memory_space<semaphore_mem>>) src(%arg13 : memref<128x128xbf16, #tpu.memory_space<vmem>>) dst(%dma_wait3A_284 : memref<10112x128xbf16, #tpu.memory_space<vmem_shared>>)
      %add3A_285 = arith.constant 4 : i32
      %add3A_286 = arith.addi %mul3A_171, %add3A_285 : i32
      %add3A_287 = arith.constant 2 : i32
      %add3A_288 = arith.addi %add3A_286, %add3A_287 : i32
      %dma_start3A_289 = arith.constant 0 : i32
      %dma_start3A_290 = tpu.memref_slice %arg8[%add3A_288, %dma_start3A_289] : memref<80x128xi32, #tpu.memory_space<vmem>> -> memref<1x128xi32, #tpu.memory_space<vmem>>
      %dma_start3A_291 = tpu.memref_squeeze %dma_start3A_290 : memref<1x128xi32, #tpu.memory_space<vmem>> -> memref<128xi32, #tpu.memory_space<vmem>>
      %dma_start3A_292 = arith.constant 0 : i32
      %dma_start3A_293 = tpu.memref_slice %arg2[%arg0, %dma_start3A_292] : memref<20002x128xbf16, #tpu.memory_space<hbm>> -> memref<40003x128xbf16, #tpu.memory_space<hbm>>
      %dma_start3A_294 = arith.constant 0 : i32
      %dma_start3A_295 = arith.constant 0 : i32
      %dma_start3A_296 = tpu.memref_slice %dma_start3A_293[%dma_start3A_294, %dma_start3A_295] : memref<40003x128xbf16, #tpu.memory_space<hbm>> -> memref<40003x128xbf16, #tpu.memory_space<hbm>>
      tpu.enqueue_indirect_dma source(%dma_start3A_296 : memref<40003x128xbf16, #tpu.memory_space<hbm>>) target(%arg13 : memref<128x128xbf16, #tpu.memory_space<vmem>>) offsets(%dma_start3A_291 : memref<128xi32, #tpu.memory_space<vmem>>) semaphore(%arg20 : memref<!tpu.dma_semaphore, #tpu.memory_space<semaphore_mem>>)
      %dma_wait3A_297 = arith.constant 0 : i32
      %dma_wait3A_298 = arith.constant 0 : i32
      %dma_wait3A_299 = tpu.memref_slice %arg9[%dma_wait3A_297, %dma_wait3A_298] : memref<80x128xi32, #tpu.memory_space<vmem>> -> memref<1x128xi32, #tpu.memory_space<vmem>>
      %dma_wait3A_300 = tpu.memref_squeeze %dma_wait3A_299 : memref<1x128xi32, #tpu.memory_space<vmem>> -> memref<128xi32, #tpu.memory_space<vmem>>
      %dma_wait3A_301 = arith.constant 0 : i32
      %dma_wait3A_302 = arith.constant 0 : i32
      %dma_wait3A_303 = tpu.memref_slice %arg16[%dma_wait3A_301, %dma_wait3A_302] : memref<10112x128xbf16, #tpu.memory_space<vmem_shared>> -> memref<10112x128xbf16, #tpu.memory_space<vmem_shared>>
      tpu.wait_indirect_dma semaphore(%arg25 : memref<!tpu.dma_semaphore, #tpu.memory_space<semaphore_mem>>) src(%arg14 : memref<128x128xbf16, #tpu.memory_space<vmem>>) dst(%dma_wait3A_303 : memref<10112x128xbf16, #tpu.memory_space<vmem_shared>>)
      %add3A_304 = arith.constant 4 : i32
      %add3A_305 = arith.addi %mul3A_171, %add3A_304 : i32
      %add3A_306 = arith.constant 3 : i32
      %add3A_307 = arith.addi %add3A_305, %add3A_306 : i32
      %dma_start3A_308 = arith.constant 0 : i32
      %dma_start3A_309 = tpu.memref_slice %arg8[%add3A_307, %dma_start3A_308] : memref<80x128xi32, #tpu.memory_space<vmem>> -> memref<1x128xi32, #tpu.memory_space<vmem>>
      %dma_start3A_310 = tpu.memref_squeeze %dma_start3A_309 : memref<1x128xi32, #tpu.memory_space<vmem>> -> memref<128xi32, #tpu.memory_space<vmem>>
      %dma_start3A_311 = arith.constant 0 : i32
      %dma_start3A_312 = tpu.memref_slice %arg2[%arg0, %dma_start3A_311] : memref<20002x128xbf16, #tpu.memory_space<hbm>> -> memref<40003x128xbf16, #tpu.memory_space<hbm>>
      %dma_start3A_313 = arith.constant 0 : i32
      %dma_start3A_314 = arith.constant 0 : i32
      %dma_start3A_315 = tpu.memref_slice %dma_start3A_312[%dma_start3A_313, %dma_start3A_314] : memref<40003x128xbf16, #tpu.memory_space<hbm>> -> memref<40003x128xbf16, #tpu.memory_space<hbm>>
      tpu.enqueue_indirect_dma source(%dma_start3A_315 : memref<40003x128xbf16, #tpu.memory_space<hbm>>) target(%arg14 : memref<128x128xbf16, #tpu.memory_space<vmem>>) offsets(%dma_start3A_310 : memref<128xi32, #tpu.memory_space<vmem>>) semaphore(%arg21 : memref<!tpu.dma_semaphore, #tpu.memory_space<semaphore_mem>>)
      %scan3A_316 = arith.constant 0 : i32
      scf.yield %scan3A_316 : i32
    }
    %scan3A_68 = arith.constant 19 : i32
    %dma_wait3A = arith.constant 0 : i32
    %dma_wait3A_69 = arith.constant 0 : i32
    %dma_wait3A_70 = tpu.memref_slice %arg8[%dma_wait3A, %dma_wait3A_69] : memref<80x128xi32, #tpu.memory_space<vmem>> -> memref<1x128xi32, #tpu.memory_space<vmem>>
    %dma_wait3A_71 = tpu.memref_squeeze %dma_wait3A_70 : memref<1x128xi32, #tpu.memory_space<vmem>> -> memref<128xi32, #tpu.memory_space<vmem>>
    %dma_wait3A_72 = arith.constant 0 : i32
    %dma_wait3A_73 = tpu.memref_slice %arg2[%arg0, %dma_wait3A_72] : memref<20002x128xbf16, #tpu.memory_space<hbm>> -> memref<40003x128xbf16, #tpu.memory_space<hbm>>
    %dma_wait3A_74 = arith.constant 0 : i32
    %dma_wait3A_75 = arith.constant 0 : i32
    %dma_wait3A_76 = tpu.memref_slice %dma_wait3A_73[%dma_wait3A_74, %dma_wait3A_75] : memref<40003x128xbf16, #tpu.memory_space<hbm>> -> memref<40003x128xbf16, #tpu.memory_space<hbm>>
    tpu.wait_indirect_dma semaphore(%arg18 : memref<!tpu.dma_semaphore, #tpu.memory_space<semaphore_mem>>) src(%dma_wait3A_76 : memref<40003x128xbf16, #tpu.memory_space<hbm>>) dst(%arg11 : memref<128x128xbf16, #tpu.memory_space<vmem>>)
    %dma_start3A_77 = arith.constant 76 : i32
    %dma_start3A_78 = arith.constant 0 : i32
    %dma_start3A_79 = tpu.memref_slice %arg9[%dma_start3A_77, %dma_start3A_78] : memref<80x128xi32, #tpu.memory_space<vmem>> -> memref<1x128xi32, #tpu.memory_space<vmem>>
    %dma_start3A_80 = tpu.memref_squeeze %dma_start3A_79 : memref<1x128xi32, #tpu.memory_space<vmem>> -> memref<128xi32, #tpu.memory_space<vmem>>
    %dma_start3A_81 = arith.constant 0 : i32
    %dma_start3A_82 = arith.constant 0 : i32
    %dma_start3A_83 = tpu.memref_slice %arg16[%dma_start3A_81, %dma_start3A_82] : memref<10112x128xbf16, #tpu.memory_space<vmem_shared>> -> memref<10112x128xbf16, #tpu.memory_space<vmem_shared>>
    tpu.enqueue_indirect_dma source(%arg11 : memref<128x128xbf16, #tpu.memory_space<vmem>>) target(%dma_start3A_83 : memref<10112x128xbf16, #tpu.memory_space<vmem_shared>>) offsets(%dma_start3A_80 : memref<128xi32, #tpu.memory_space<vmem>>) semaphore(%arg22 : memref<!tpu.dma_semaphore, #tpu.memory_space<semaphore_mem>>) {add = true}
    %dma_wait3A_84 = arith.constant 0 : i32
    %dma_wait3A_85 = arith.constant 0 : i32
    %dma_wait3A_86 = tpu.memref_slice %arg8[%dma_wait3A_84, %dma_wait3A_85] : memref<80x128xi32, #tpu.memory_space<vmem>> -> memref<1x128xi32, #tpu.memory_space<vmem>>
    %dma_wait3A_87 = tpu.memref_squeeze %dma_wait3A_86 : memref<1x128xi32, #tpu.memory_space<vmem>> -> memref<128xi32, #tpu.memory_space<vmem>>
    %dma_wait3A_88 = arith.constant 0 : i32
    %dma_wait3A_89 = tpu.memref_slice %arg2[%arg0, %dma_wait3A_88] : memref<20002x128xbf16, #tpu.memory_space<hbm>> -> memref<40003x128xbf16, #tpu.memory_space<hbm>>
    %dma_wait3A_90 = arith.constant 0 : i32
    %dma_wait3A_91 = arith.constant 0 : i32
    %dma_wait3A_92 = tpu.memref_slice %dma_wait3A_89[%dma_wait3A_90, %dma_wait3A_91] : memref<40003x128xbf16, #tpu.memory_space<hbm>> -> memref<40003x128xbf16, #tpu.memory_space<hbm>>
    tpu.wait_indirect_dma semaphore(%arg19 : memref<!tpu.dma_semaphore, #tpu.memory_space<semaphore_mem>>) src(%dma_wait3A_92 : memref<40003x128xbf16, #tpu.memory_space<hbm>>) dst(%arg12 : memref<128x128xbf16, #tpu.memory_space<vmem>>)
    %dma_start3A_93 = arith.constant 77 : i32
    %dma_start3A_94 = arith.constant 0 : i32
    %dma_start3A_95 = tpu.memref_slice %arg9[%dma_start3A_93, %dma_start3A_94] : memref<80x128xi32, #tpu.memory_space<vmem>> -> memref<1x128xi32, #tpu.memory_space<vmem>>
    %dma_start3A_96 = tpu.memref_squeeze %dma_start3A_95 : memref<1x128xi32, #tpu.memory_space<vmem>> -> memref<128xi32, #tpu.memory_space<vmem>>
    %dma_start3A_97 = arith.constant 0 : i32
    %dma_start3A_98 = arith.constant 0 : i32
    %dma_start3A_99 = tpu.memref_slice %arg16[%dma_start3A_97, %dma_start3A_98] : memref<10112x128xbf16, #tpu.memory_space<vmem_shared>> -> memref<10112x128xbf16, #tpu.memory_space<vmem_shared>>
    tpu.enqueue_indirect_dma source(%arg12 : memref<128x128xbf16, #tpu.memory_space<vmem>>) target(%dma_start3A_99 : memref<10112x128xbf16, #tpu.memory_space<vmem_shared>>) offsets(%dma_start3A_96 : memref<128xi32, #tpu.memory_space<vmem>>) semaphore(%arg23 : memref<!tpu.dma_semaphore, #tpu.memory_space<semaphore_mem>>) {add = true}
    %dma_wait3A_100 = arith.constant 0 : i32
    %dma_wait3A_101 = arith.constant 0 : i32
    %dma_wait3A_102 = tpu.memref_slice %arg8[%dma_wait3A_100, %dma_wait3A_101] : memref<80x128xi32, #tpu.memory_space<vmem>> -> memref<1x128xi32, #tpu.memory_space<vmem>>
    %dma_wait3A_103 = tpu.memref_squeeze %dma_wait3A_102 : memref<1x128xi32, #tpu.memory_space<vmem>> -> memref<128xi32, #tpu.memory_space<vmem>>
    %dma_wait3A_104 = arith.constant 0 : i32
    %dma_wait3A_105 = tpu.memref_slice %arg2[%arg0, %dma_wait3A_104] : memref<20002x128xbf16, #tpu.memory_space<hbm>> -> memref<40003x128xbf16, #tpu.memory_space<hbm>>
    %dma_wait3A_106 = arith.constant 0 : i32
    %dma_wait3A_107 = arith.constant 0 : i32
    %dma_wait3A_108 = tpu.memref_slice %dma_wait3A_105[%dma_wait3A_106, %dma_wait3A_107] : memref<40003x128xbf16, #tpu.memory_space<hbm>> -> memref<40003x128xbf16, #tpu.memory_space<hbm>>
    tpu.wait_indirect_dma semaphore(%arg20 : memref<!tpu.dma_semaphore, #tpu.memory_space<semaphore_mem>>) src(%dma_wait3A_108 : memref<40003x128xbf16, #tpu.memory_space<hbm>>) dst(%arg13 : memref<128x128xbf16, #tpu.memory_space<vmem>>)
    %dma_start3A_109 = arith.constant 78 : i32
    %dma_start3A_110 = arith.constant 0 : i32
    %dma_start3A_111 = tpu.memref_slice %arg9[%dma_start3A_109, %dma_start3A_110] : memref<80x128xi32, #tpu.memory_space<vmem>> -> memref<1x128xi32, #tpu.memory_space<vmem>>
    %dma_start3A_112 = tpu.memref_squeeze %dma_start3A_111 : memref<1x128xi32, #tpu.memory_space<vmem>> -> memref<128xi32, #tpu.memory_space<vmem>>
    %dma_start3A_113 = arith.constant 0 : i32
    %dma_start3A_114 = arith.constant 0 : i32
    %dma_start3A_115 = tpu.memref_slice %arg16[%dma_start3A_113, %dma_start3A_114] : memref<10112x128xbf16, #tpu.memory_space<vmem_shared>> -> memref<10112x128xbf16, #tpu.memory_space<vmem_shared>>
    tpu.enqueue_indirect_dma source(%arg13 : memref<128x128xbf16, #tpu.memory_space<vmem>>) target(%dma_start3A_115 : memref<10112x128xbf16, #tpu.memory_space<vmem_shared>>) offsets(%dma_start3A_112 : memref<128xi32, #tpu.memory_space<vmem>>) semaphore(%arg24 : memref<!tpu.dma_semaphore, #tpu.memory_space<semaphore_mem>>) {add = true}
    %dma_wait3A_116 = arith.constant 0 : i32
    %dma_wait3A_117 = arith.constant 0 : i32
    %dma_wait3A_118 = tpu.memref_slice %arg8[%dma_wait3A_116, %dma_wait3A_117] : memref<80x128xi32, #tpu.memory_space<vmem>> -> memref<1x128xi32, #tpu.memory_space<vmem>>
    %dma_wait3A_119 = tpu.memref_squeeze %dma_wait3A_118 : memref<1x128xi32, #tpu.memory_space<vmem>> -> memref<128xi32, #tpu.memory_space<vmem>>
    %dma_wait3A_120 = arith.constant 0 : i32
    %dma_wait3A_121 = tpu.memref_slice %arg2[%arg0, %dma_wait3A_120] : memref<20002x128xbf16, #tpu.memory_space<hbm>> -> memref<40003x128xbf16, #tpu.memory_space<hbm>>
    %dma_wait3A_122 = arith.constant 0 : i32
    %dma_wait3A_123 = arith.constant 0 : i32
    %dma_wait3A_124 = tpu.memref_slice %dma_wait3A_121[%dma_wait3A_122, %dma_wait3A_123] : memref<40003x128xbf16, #tpu.memory_space<hbm>> -> memref<40003x128xbf16, #tpu.memory_space<hbm>>
    tpu.wait_indirect_dma semaphore(%arg21 : memref<!tpu.dma_semaphore, #tpu.memory_space<semaphore_mem>>) src(%dma_wait3A_124 : memref<40003x128xbf16, #tpu.memory_space<hbm>>) dst(%arg14 : memref<128x128xbf16, #tpu.memory_space<vmem>>)
    %dma_start3A_125 = arith.constant 79 : i32
    %dma_start3A_126 = arith.constant 0 : i32
    %dma_start3A_127 = tpu.memref_slice %arg9[%dma_start3A_125, %dma_start3A_126] : memref<80x128xi32, #tpu.memory_space<vmem>> -> memref<1x128xi32, #tpu.memory_space<vmem>>
    %dma_start3A_128 = tpu.memref_squeeze %dma_start3A_127 : memref<1x128xi32, #tpu.memory_space<vmem>> -> memref<128xi32, #tpu.memory_space<vmem>>
    %dma_start3A_129 = arith.constant 0 : i32
    %dma_start3A_130 = arith.constant 0 : i32
    %dma_start3A_131 = tpu.memref_slice %arg16[%dma_start3A_129, %dma_start3A_130] : memref<10112x128xbf16, #tpu.memory_space<vmem_shared>> -> memref<10112x128xbf16, #tpu.memory_space<vmem_shared>>
    tpu.enqueue_indirect_dma source(%arg14 : memref<128x128xbf16, #tpu.memory_space<vmem>>) target(%dma_start3A_131 : memref<10112x128xbf16, #tpu.memory_space<vmem_shared>>) offsets(%dma_start3A_128 : memref<128xi32, #tpu.memory_space<vmem>>) semaphore(%arg25 : memref<!tpu.dma_semaphore, #tpu.memory_space<semaphore_mem>>) {add = true}
    %dma_wait3A_132 = arith.constant 0 : i32
    %dma_wait3A_133 = arith.constant 0 : i32
    %dma_wait3A_134 = tpu.memref_slice %arg9[%dma_wait3A_132, %dma_wait3A_133] : memref<80x128xi32, #tpu.memory_space<vmem>> -> memref<1x128xi32, #tpu.memory_space<vmem>>
    %dma_wait3A_135 = tpu.memref_squeeze %dma_wait3A_134 : memref<1x128xi32, #tpu.memory_space<vmem>> -> memref<128xi32, #tpu.memory_space<vmem>>
    %dma_wait3A_136 = arith.constant 0 : i32
    %dma_wait3A_137 = arith.constant 0 : i32
    %dma_wait3A_138 = tpu.memref_slice %arg16[%dma_wait3A_136, %dma_wait3A_137] : memref<10112x128xbf16, #tpu.memory_space<vmem_shared>> -> memref<10112x128xbf16, #tpu.memory_space<vmem_shared>>
    tpu.wait_indirect_dma semaphore(%arg22 : memref<!tpu.dma_semaphore, #tpu.memory_space<semaphore_mem>>) src(%arg11 : memref<128x128xbf16, #tpu.memory_space<vmem>>) dst(%dma_wait3A_138 : memref<10112x128xbf16, #tpu.memory_space<vmem_shared>>)
    %dma_wait3A_139 = arith.constant 0 : i32
    %dma_wait3A_140 = arith.constant 0 : i32
    %dma_wait3A_141 = tpu.memref_slice %arg9[%dma_wait3A_139, %dma_wait3A_140] : memref<80x128xi32, #tpu.memory_space<vmem>> -> memref<1x128xi32, #tpu.memory_space<vmem>>
    %dma_wait3A_142 = tpu.memref_squeeze %dma_wait3A_141 : memref<1x128xi32, #tpu.memory_space<vmem>> -> memref<128xi32, #tpu.memory_space<vmem>>
    %dma_wait3A_143 = arith.constant 0 : i32
    %dma_wait3A_144 = arith.constant 0 : i32
    %dma_wait3A_145 = tpu.memref_slice %arg16[%dma_wait3A_143, %dma_wait3A_144] : memref<10112x128xbf16, #tpu.memory_space<vmem_shared>> -> memref<10112x128xbf16, #tpu.memory_space<vmem_shared>>
    tpu.wait_indirect_dma semaphore(%arg23 : memref<!tpu.dma_semaphore, #tpu.memory_space<semaphore_mem>>) src(%arg12 : memref<128x128xbf16, #tpu.memory_space<vmem>>) dst(%dma_wait3A_145 : memref<10112x128xbf16, #tpu.memory_space<vmem_shared>>)
    %dma_wait3A_146 = arith.constant 0 : i32
    %dma_wait3A_147 = arith.constant 0 : i32
    %dma_wait3A_148 = tpu.memref_slice %arg9[%dma_wait3A_146, %dma_wait3A_147] : memref<80x128xi32, #tpu.memory_space<vmem>> -> memref<1x128xi32, #tpu.memory_space<vmem>>
    %dma_wait3A_149 = tpu.memref_squeeze %dma_wait3A_148 : memref<1x128xi32, #tpu.memory_space<vmem>> -> memref<128xi32, #tpu.memory_space<vmem>>
    %dma_wait3A_150 = arith.constant 0 : i32
    %dma_wait3A_151 = arith.constant 0 : i32
    %dma_wait3A_152 = tpu.memref_slice %arg16[%dma_wait3A_150, %dma_wait3A_151] : memref<10112x128xbf16, #tpu.memory_space<vmem_shared>> -> memref<10112x128xbf16, #tpu.memory_space<vmem_shared>>
    tpu.wait_indirect_dma semaphore(%arg24 : memref<!tpu.dma_semaphore, #tpu.memory_space<semaphore_mem>>) src(%arg13 : memref<128x128xbf16, #tpu.memory_space<vmem>>) dst(%dma_wait3A_152 : memref<10112x128xbf16, #tpu.memory_space<vmem_shared>>)
    %dma_wait3A_153 = arith.constant 0 : i32
    %dma_wait3A_154 = arith.constant 0 : i32
    %dma_wait3A_155 = tpu.memref_slice %arg9[%dma_wait3A_153, %dma_wait3A_154] : memref<80x128xi32, #tpu.memory_space<vmem>> -> memref<1x128xi32, #tpu.memory_space<vmem>>
    %dma_wait3A_156 = tpu.memref_squeeze %dma_wait3A_155 : memref<1x128xi32, #tpu.memory_space<vmem>> -> memref<128xi32, #tpu.memory_space<vmem>>
    %dma_wait3A_157 = arith.constant 0 : i32
    %dma_wait3A_158 = arith.constant 0 : i32
    %dma_wait3A_159 = tpu.memref_slice %arg16[%dma_wait3A_157, %dma_wait3A_158] : memref<10112x128xbf16, #tpu.memory_space<vmem_shared>> -> memref<10112x128xbf16, #tpu.memory_space<vmem_shared>>
    tpu.wait_indirect_dma semaphore(%arg25 : memref<!tpu.dma_semaphore, #tpu.memory_space<semaphore_mem>>) src(%arg14 : memref<128x128xbf16, #tpu.memory_space<vmem>>) dst(%dma_wait3A_159 : memref<10112x128xbf16, #tpu.memory_space<vmem_shared>>)
    %eq3A = arith.constant 0 : i32
    %eq3A_160 = arith.cmpi eq, %arg0, %eq3A : i32
    %convert_element_type3A = arith.extui %eq3A_160 : i1 to i32
    %cond3A = arith.constant 0 : i32
    %cond3A_161 = arith.cmpi ne, %convert_element_type3A, %cond3A : i32
    scf.if %cond3A_161 {
      %scan3A_168 = arith.constant 0 : i32
      %scan3A_169 = arith.constant 0 : i32
      %scan3A_170 = arith.constant 40 : i32
      %scan3A_171 = arith.addi %scan3A_169, %scan3A_170 : i32
      %scan3A_172 = arith.constant 1 : i32
      %scan3A_173 = scf.for %scan3A_182 = %scan3A_169 to %scan3A_171 step %scan3A_172 iter_args(%scan3A_183 = %scan3A_168) -> (i32)  : i32 {
        %dma_start3A_184 = arith.constant 0 : i32
        %dma_start3A_185 = arith.constant 0 : i32
        %dma_start3A_186 = tpu.memref_slice %arg15[%dma_start3A_184, %dma_start3A_185] : memref<256x8xf32, #tpu.memory_space<vmem>> -> memref<128x8xf32, #tpu.memory_space<vmem>>
        %dma_start3A_187 = arith.constant 0 : i32
        %dma_start3A_188 = tpu.memref_slice %arg9[%scan3A_182, %dma_start3A_187] : memref<80x128xi32, #tpu.memory_space<vmem>> -> memref<1x128xi32, #tpu.memory_space<vmem>>
        %dma_start3A_189 = tpu.memref_squeeze %dma_start3A_188 : memref<1x128xi32, #tpu.memory_space<vmem>> -> memref<128xi32, #tpu.memory_space<vmem>>
        %dma_start3A_190 = arith.constant 0 : i32
        %dma_start3A_191 = arith.constant 0 : i32
        %dma_start3A_192 = tpu.memref_slice %arg17[%dma_start3A_190, %dma_start3A_191] : memref<10112x8xf32, #tpu.memory_space<vmem_shared>> -> memref<10112x8xf32, #tpu.memory_space<vmem_shared>>
        tpu.enqueue_indirect_dma source(%dma_start3A_186 : memref<128x8xf32, #tpu.memory_space<vmem>>) target(%dma_start3A_192 : memref<10112x8xf32, #tpu.memory_space<vmem_shared>>) offsets(%dma_start3A_189 : memref<128xi32, #tpu.memory_space<vmem>>) semaphore(%arg26 : memref<!tpu.dma_semaphore, #tpu.memory_space<semaphore_mem>>) {add = true}
        %scan3A_193 = arith.constant 0 : i32
        scf.yield %scan3A_193 : i32
      }
      %scan3A_174 = arith.constant 40 : i32
      %scan3A_175 = arith.constant 0 : i32
      %scan3A_176 = arith.constant 0 : i32
      %scan3A_177 = arith.constant 40 : i32
      %scan3A_178 = arith.addi %scan3A_176, %scan3A_177 : i32
      %scan3A_179 = arith.constant 1 : i32
      %scan3A_180 = scf.for %scan3A_182 = %scan3A_176 to %scan3A_178 step %scan3A_179 iter_args(%scan3A_183 = %scan3A_175) -> (i32)  : i32 {
        %dma_wait3A_184 = arith.constant 0 : i32
        %dma_wait3A_185 = arith.constant 0 : i32
        %dma_wait3A_186 = arith.constant 0 : i32
        %dma_wait3A_187 = tpu.memref_slice %arg15[%dma_wait3A_185, %dma_wait3A_186] : memref<256x8xf32, #tpu.memory_space<vmem>> -> memref<128x8xf32, #tpu.memory_space<vmem>>
        %dma_wait3A_188 = arith.constant 0 : i32
        %dma_wait3A_189 = tpu.memref_slice %arg9[%dma_wait3A_184, %dma_wait3A_188] : memref<80x128xi32, #tpu.memory_space<vmem>> -> memref<1x128xi32, #tpu.memory_space<vmem>>
        %dma_wait3A_190 = tpu.memref_squeeze %dma_wait3A_189 : memref<1x128xi32, #tpu.memory_space<vmem>> -> memref<128xi32, #tpu.memory_space<vmem>>
        %dma_wait3A_191 = arith.constant 0 : i32
        %dma_wait3A_192 = arith.constant 0 : i32
        %dma_wait3A_193 = tpu.memref_slice %arg17[%dma_wait3A_191, %dma_wait3A_192] : memref<10112x8xf32, #tpu.memory_space<vmem_shared>> -> memref<10112x8xf32, #tpu.memory_space<vmem_shared>>
        tpu.wait_indirect_dma semaphore(%arg26 : memref<!tpu.dma_semaphore, #tpu.memory_space<semaphore_mem>>) src(%dma_wait3A_187 : memref<128x8xf32, #tpu.memory_space<vmem>>) dst(%dma_wait3A_193 : memref<10112x8xf32, #tpu.memory_space<vmem_shared>>)
        %scan3A_194 = arith.constant 0 : i32
        scf.yield %scan3A_194 : i32
      }
      %scan3A_181 = arith.constant 40 : i32
    } else {
    }
    %eq3A_162 = arith.constant 1 : i32
    %eq3A_163 = arith.cmpi eq, %arg0, %eq3A_162 : i32
    %convert_element_type3A_164 = arith.extui %eq3A_163 : i1 to i32
    %cond3A_165 = arith.constant 0 : i32
    %cond3A_166 = arith.cmpi ne, %convert_element_type3A_164, %cond3A_165 : i32
    scf.if %cond3A_166 {
      %scan3A_168 = arith.constant 0 : i32
      %scan3A_169 = arith.constant 40 : i32
      %scan3A_170 = arith.constant 40 : i32
      %scan3A_171 = arith.addi %scan3A_169, %scan3A_170 : i32
      %scan3A_172 = arith.constant 1 : i32
      %scan3A_173 = scf.for %scan3A_182 = %scan3A_169 to %scan3A_171 step %scan3A_172 iter_args(%scan3A_183 = %scan3A_168) -> (i32)  : i32 {
        %dma_start3A_184 = arith.constant 0 : i32
        %dma_start3A_185 = arith.constant 0 : i32
        %dma_start3A_186 = tpu.memref_slice %arg15[%dma_start3A_184, %dma_start3A_185] : memref<256x8xf32, #tpu.memory_space<vmem>> -> memref<128x8xf32, #tpu.memory_space<vmem>>
        %dma_start3A_187 = arith.constant 0 : i32
        %dma_start3A_188 = tpu.memref_slice %arg9[%scan3A_182, %dma_start3A_187] : memref<80x128xi32, #tpu.memory_space<vmem>> -> memref<1x128xi32, #tpu.memory_space<vmem>>
        %dma_start3A_189 = tpu.memref_squeeze %dma_start3A_188 : memref<1x128xi32, #tpu.memory_space<vmem>> -> memref<128xi32, #tpu.memory_space<vmem>>
        %dma_start3A_190 = arith.constant 0 : i32
        %dma_start3A_191 = arith.constant 0 : i32
        %dma_start3A_192 = tpu.memref_slice %arg17[%dma_start3A_190, %dma_start3A_191] : memref<10112x8xf32, #tpu.memory_space<vmem_shared>> -> memref<10112x8xf32, #tpu.memory_space<vmem_shared>>
        tpu.enqueue_indirect_dma source(%dma_start3A_186 : memref<128x8xf32, #tpu.memory_space<vmem>>) target(%dma_start3A_192 : memref<10112x8xf32, #tpu.memory_space<vmem_shared>>) offsets(%dma_start3A_189 : memref<128xi32, #tpu.memory_space<vmem>>) semaphore(%arg26 : memref<!tpu.dma_semaphore, #tpu.memory_space<semaphore_mem>>) {add = true}
        %scan3A_193 = arith.constant 0 : i32
        scf.yield %scan3A_193 : i32
      }
      %scan3A_174 = arith.constant 40 : i32
      %scan3A_175 = arith.constant 0 : i32
      %scan3A_176 = arith.constant 40 : i32
      %scan3A_177 = arith.constant 40 : i32
      %scan3A_178 = arith.addi %scan3A_176, %scan3A_177 : i32
      %scan3A_179 = arith.constant 1 : i32
      %scan3A_180 = scf.for %scan3A_182 = %scan3A_176 to %scan3A_178 step %scan3A_179 iter_args(%scan3A_183 = %scan3A_175) -> (i32)  : i32 {
        %dma_wait3A_184 = arith.constant 0 : i32
        %dma_wait3A_185 = arith.constant 0 : i32
        %dma_wait3A_186 = arith.constant 0 : i32
        %dma_wait3A_187 = tpu.memref_slice %arg15[%dma_wait3A_185, %dma_wait3A_186] : memref<256x8xf32, #tpu.memory_space<vmem>> -> memref<128x8xf32, #tpu.memory_space<vmem>>
        %dma_wait3A_188 = arith.constant 0 : i32
        %dma_wait3A_189 = tpu.memref_slice %arg9[%dma_wait3A_184, %dma_wait3A_188] : memref<80x128xi32, #tpu.memory_space<vmem>> -> memref<1x128xi32, #tpu.memory_space<vmem>>
        %dma_wait3A_190 = tpu.memref_squeeze %dma_wait3A_189 : memref<1x128xi32, #tpu.memory_space<vmem>> -> memref<128xi32, #tpu.memory_space<vmem>>
        %dma_wait3A_191 = arith.constant 0 : i32
        %dma_wait3A_192 = arith.constant 0 : i32
        %dma_wait3A_193 = tpu.memref_slice %arg17[%dma_wait3A_191, %dma_wait3A_192] : memref<10112x8xf32, #tpu.memory_space<vmem_shared>> -> memref<10112x8xf32, #tpu.memory_space<vmem_shared>>
        tpu.wait_indirect_dma semaphore(%arg26 : memref<!tpu.dma_semaphore, #tpu.memory_space<semaphore_mem>>) src(%dma_wait3A_187 : memref<128x8xf32, #tpu.memory_space<vmem>>) dst(%dma_wait3A_193 : memref<10112x8xf32, #tpu.memory_space<vmem_shared>>)
        %scan3A_194 = arith.constant 0 : i32
        scf.yield %scan3A_194 : i32
      }
      %scan3A_181 = arith.constant 40 : i32
    } else {
    }
    %barrier3A_167 = arith.constant 0 : index
    tpu.barrier barrier_id(%barrier3A_167)
    "tpu.region"() ({
      %run_scoped3A = tpu.sem_alloc : memref<!tpu.dma_semaphore, #tpu.memory_space<semaphore_mem>>
      %dma_start3A_168 = arith.constant 0 : i32
      %dma_start3A_169 = tpu.memref_slice %arg6[%arg0, %mul3A_0, %dma_start3A_168] : memref<2x10112x128xbf16, #tpu.memory_space<hbm>> -> memref<1x632x128xbf16, #tpu.memory_space<hbm>>
      %dma_start3A_170 = tpu.memref_squeeze %dma_start3A_169 : memref<1x632x128xbf16, #tpu.memory_space<hbm>> -> memref<632x128xbf16, #tpu.memory_space<hbm>>
      %dma_start3A_171 = arith.constant 0 : i32
      %dma_start3A_172 = tpu.memref_slice %arg16[%mul3A_0, %dma_start3A_171] : memref<10112x128xbf16, #tpu.memory_space<vmem_shared>> -> memref<632x128xbf16, #tpu.memory_space<vmem_shared>>
      tpu.enqueue_dma source(%dma_start3A_172 : memref<632x128xbf16, #tpu.memory_space<vmem_shared>>) target(%dma_start3A_170 : memref<632x128xbf16, #tpu.memory_space<hbm>>) target_semaphore(%run_scoped3A : memref<!tpu.dma_semaphore, #tpu.memory_space<semaphore_mem>>)
      %dma_wait3A_173 = arith.constant 0 : i32
      %dma_wait3A_174 = tpu.memref_slice %arg6[%arg0, %mul3A_0, %dma_wait3A_173] : memref<2x10112x128xbf16, #tpu.memory_space<hbm>> -> memref<1x632x128xbf16, #tpu.memory_space<hbm>>
      %dma_wait3A_175 = tpu.memref_squeeze %dma_wait3A_174 : memref<1x632x128xbf16, #tpu.memory_space<hbm>> -> memref<632x128xbf16, #tpu.memory_space<hbm>>
      %dma_wait3A_176 = arith.constant 0 : i32
      %dma_wait3A_177 = tpu.memref_slice %arg16[%mul3A_0, %dma_wait3A_176] : memref<10112x128xbf16, #tpu.memory_space<vmem_shared>> -> memref<632x128xbf16, #tpu.memory_space<vmem_shared>>
      tpu.wait_dma2 semaphore(%run_scoped3A : memref<!tpu.dma_semaphore, #tpu.memory_space<semaphore_mem>>) src(%dma_wait3A_177 : memref<632x128xbf16, #tpu.memory_space<vmem_shared>>) dst(%dma_wait3A_175 : memref<632x128xbf16, #tpu.memory_space<hbm>>)
      tpu.yield
    }) : () -> ()
    "tpu.region"() ({
      %run_scoped3A = tpu.sem_alloc : memref<!tpu.dma_semaphore, #tpu.memory_space<semaphore_mem>>
      %dma_start3A_168 = arith.constant 0 : i32
      %dma_start3A_169 = tpu.memref_slice %arg7[%arg0, %mul3A_0, %dma_start3A_168] : memref<2x10112x8xf32, #tpu.memory_space<hbm>> -> memref<1x632x8xf32, #tpu.memory_space<hbm>>
      %dma_start3A_170 = tpu.memref_squeeze %dma_start3A_169 : memref<1x632x8xf32, #tpu.memory_space<hbm>> -> memref<632x8xf32, #tpu.memory_space<hbm>>
      %dma_start3A_171 = arith.constant 0 : i32
      %dma_start3A_172 = tpu.memref_slice %arg17[%mul3A_0, %dma_start3A_171] : memref<10112x8xf32, #tpu.memory_space<vmem_shared>> -> memref<632x8xf32, #tpu.memory_space<vmem_shared>>
      tpu.enqueue_dma source(%dma_start3A_172 : memref<632x8xf32, #tpu.memory_space<vmem_shared>>) target(%dma_start3A_170 : memref<632x8xf32, #tpu.memory_space<hbm>>) target_semaphore(%run_scoped3A : memref<!tpu.dma_semaphore, #tpu.memory_space<semaphore_mem>>)
      %dma_wait3A_173 = arith.constant 0 : i32
      %dma_wait3A_174 = tpu.memref_slice %arg7[%arg0, %mul3A_0, %dma_wait3A_173] : memref<2x10112x8xf32, #tpu.memory_space<hbm>> -> memref<1x632x8xf32, #tpu.memory_space<hbm>>
      %dma_wait3A_175 = tpu.memref_squeeze %dma_wait3A_174 : memref<1x632x8xf32, #tpu.memory_space<hbm>> -> memref<632x8xf32, #tpu.memory_space<hbm>>
      %dma_wait3A_176 = arith.constant 0 : i32
      %dma_wait3A_177 = tpu.memref_slice %arg17[%mul3A_0, %dma_wait3A_176] : memref<10112x8xf32, #tpu.memory_space<vmem_shared>> -> memref<632x8xf32, #tpu.memory_space<vmem_shared>>
      tpu.wait_dma2 semaphore(%run_scoped3A : memref<!tpu.dma_semaphore, #tpu.memory_space<semaphore_mem>>) src(%dma_wait3A_177 : memref<632x8xf32, #tpu.memory_space<vmem_shared>>) dst(%dma_wait3A_175 : memref<632x8xf32, #tpu.memory_space<hbm>>)
      tpu.yield
    }) : () -> ()
    return
  }
}

module attributes {stable_mosaic.version = 14 : i64} {
  func.func @tc_body(%arg0: i32, %arg1: memref<2000x256xbf16, #tpu.memory_space<vmem>>, %arg2: memref<2x2000x128xbf16, #tpu.memory_space<vmem>>, %arg3: memref<2x2000x8xf32, #tpu.memory_space<vmem>>, %arg4: memref<256x512xbf16, #tpu.memory_space<vmem>>, %arg5: memref<256x512xbf16, #tpu.memory_space<vmem>>, %arg6: memref<1x512xf32, #tpu.memory_space<vmem>>, %arg7: memref<2000x512xf32, #tpu.memory_space<vmem>>) attributes {dimension_semantics = [#tpu.dimension_semantics<arbitrary>], iteration_bounds = array<i64: 5>, scalar_prefetch = 0 : i64, scratch_operands = 0 : i64, tpu.core_type = #tpu.core_type<tc>, window_params = [{transform_indices = @transform_0, window_bounds = array<i64: 2000, 256>}, {transform_indices = @transform_1, window_bounds = array<i64: 2, 2000, 128>}, {transform_indices = @transform_2, window_bounds = array<i64: 2, 2000, 8>}, {pipeline_mode = #tpu.pipeline_mode<synchronous>, transform_indices = @transform_3, window_bounds = array<i64: 256, 512>}, {pipeline_mode = #tpu.pipeline_mode<synchronous>, transform_indices = @transform_4, window_bounds = array<i64: 256, 512>}, {pipeline_mode = #tpu.pipeline_mode<synchronous>, transform_indices = @transform_5, window_bounds = array<i64: 1, 512>}, {transform_indices = @transform_6, window_bounds = array<i64: 2000, 512>}]} {
    %get3A = arith.constant 0 : index
    %get3A_0 = arith.constant 0 : index
    %get3A_1 = arith.constant 0 : index
    %get3A_2 = vector.load %arg3[%get3A, %get3A_0, %get3A_1] : memref<2x2000x8xf32, #tpu.memory_space<vmem>>, vector<1x2000x1xf32>
    %get3A_3 = vector.shape_cast %get3A_2 : vector<1x2000x1xf32> to vector<2000x1xf32>
    %get3A_4 = arith.constant 1 : index
    %get3A_5 = arith.constant 0 : index
    %get3A_6 = arith.constant 0 : index
    %get3A_7 = vector.load %arg3[%get3A_4, %get3A_5, %get3A_6] : memref<2x2000x8xf32, #tpu.memory_space<vmem>>, vector<1x2000x1xf32>
    %get3A_8 = vector.shape_cast %get3A_7 : vector<1x2000x1xf32> to vector<2000x1xf32>
    %add3A = arith.addf %get3A_3, %get3A_8 : vector<2000x1xf32>
    %max3A = arith.constant 1.000000e+00 : f32
    %max3A_9 = vector.broadcast %max3A : f32 to vector<2000x1xf32>
    %max3A_10 = arith.maximumf %add3A, %max3A_9 : vector<2000x1xf32>
    %div3A = arith.constant 1.000000e+00 : f32
    %div3A_11 = vector.broadcast %div3A : f32 to vector<2000x1xf32>
    %div3A_12 = arith.divf %div3A_11, %max3A_10 : vector<2000x1xf32>
    %get3A_13 = arith.constant 0 : index
    %get3A_14 = arith.constant 0 : index
    %get3A_15 = arith.constant 0 : index
    %get3A_16 = vector.load %arg2[%get3A_13, %get3A_14, %get3A_15] : memref<2x2000x128xbf16, #tpu.memory_space<vmem>>, vector<1x2000x128xbf16>
    %get3A_17 = vector.shape_cast %get3A_16 : vector<1x2000x128xbf16> to vector<2000x128xbf16>
    %get3A_18 = arith.constant 1 : index
    %get3A_19 = arith.constant 0 : index
    %get3A_20 = arith.constant 0 : index
    %get3A_21 = vector.load %arg2[%get3A_18, %get3A_19, %get3A_20] : memref<2x2000x128xbf16, #tpu.memory_space<vmem>>, vector<1x2000x128xbf16>
    %get3A_22 = vector.shape_cast %get3A_21 : vector<1x2000x128xbf16> to vector<2000x128xbf16>
    %concatenate3A = tpu.concatenate %get3A_17, %get3A_22 in 1 : vector<2000x128xbf16>, vector<2000x128xbf16> -> vector<2000x256xbf16>
    %get3A_23 = arith.constant 0 : index
    %get3A_24 = arith.constant 0 : index
    %get3A_25 = vector.load %arg4[%get3A_23, %get3A_24] : memref<256x512xbf16, #tpu.memory_space<vmem>>, vector<256x512xbf16>
    %dot_general3A = arith.constant dense<0.000000e+00> : vector<2000x512xf32>
    %dot_general3A_26 = tpu.matmul %concatenate3A, %get3A_25, %dot_general3A {dimension_numbers = #tpu.dot_dimension_numbers<[1], [0], [0], [1], [0, 0, 1, 1], [], []>, transpose_lhs_hint = false} : vector<2000x256xbf16>, vector<256x512xbf16>, vector<2000x512xf32> -> vector<2000x512xf32>
    %mul3A = vector.broadcast %div3A_12 : vector<2000x1xf32> to vector<2000x512xf32>
    %mul3A_27 = arith.mulf %dot_general3A_26, %mul3A : vector<2000x512xf32>
    %get3A_28 = arith.constant 0 : index
    %get3A_29 = arith.constant 0 : index
    %get3A_30 = vector.load %arg1[%get3A_28, %get3A_29] : memref<2000x256xbf16, #tpu.memory_space<vmem>>, vector<2000x256xbf16>
    %get3A_31 = arith.constant 0 : index
    %get3A_32 = arith.constant 0 : index
    %get3A_33 = vector.load %arg5[%get3A_31, %get3A_32] : memref<256x512xbf16, #tpu.memory_space<vmem>>, vector<256x512xbf16>
    %dot_general3A_34 = arith.constant dense<0.000000e+00> : vector<2000x512xf32>
    %dot_general3A_35 = tpu.matmul %get3A_30, %get3A_33, %dot_general3A_34 {dimension_numbers = #tpu.dot_dimension_numbers<[1], [0], [0], [1], [0, 0, 1, 1], [], []>, transpose_lhs_hint = false} : vector<2000x256xbf16>, vector<256x512xbf16>, vector<2000x512xf32> -> vector<2000x512xf32>
    %add3A_36 = arith.addf %mul3A_27, %dot_general3A_35 : vector<2000x512xf32>
    %get3A_37 = arith.constant 0 : index
    %get3A_38 = arith.constant 0 : index
    %get3A_39 = vector.load %arg6[%get3A_37, %get3A_38] : memref<1x512xf32, #tpu.memory_space<vmem>>, vector<1x512xf32>
    %add3A_40 = vector.broadcast %get3A_39 : vector<1x512xf32> to vector<2000x512xf32>
    %add3A_41 = arith.addf %add3A_36, %add3A_40 : vector<2000x512xf32>
    %max3A_42 = arith.constant 0.000000e+00 : f32
    %max3A_43 = vector.broadcast %max3A_42 : f32 to vector<2000x512xf32>
    %max3A_44 = arith.maximumf %add3A_41, %max3A_43 : vector<2000x512xf32>
    %swap3A = arith.constant 0 : index
    %swap3A_45 = arith.constant 0 : index
    %swap3A_46 = vector.load %arg7[%swap3A, %swap3A_45] : memref<2000x512xf32, #tpu.memory_space<vmem>>, vector<2000x512xf32>
    tpu.vector_store %arg7[%swap3A, %swap3A_45], %max3A_44 {strides = array<i32>} : memref<2000x512xf32, #tpu.memory_space<vmem>>, vector<2000x512xf32>,
    return
  }
  func.func @transform_0(%arg0: i32) -> (i32, i32) {
    %c0_i32 = arith.constant 0 : i32
    %c0_i32_0 = arith.constant 0 : i32
    return %arg0, %c0_i32 : i32, i32
  }
  func.func @transform_1(%arg0: i32) -> (i32, i32, i32) {
    %c0_i32 = arith.constant 0 : i32
    %c0_i32_0 = arith.constant 0 : i32
    %c0_i32_1 = arith.constant 0 : i32
    return %c0_i32, %arg0, %c0_i32_0 : i32, i32, i32
  }
  func.func @transform_2(%arg0: i32) -> (i32, i32, i32) {
    %c0_i32 = arith.constant 0 : i32
    %c0_i32_0 = arith.constant 0 : i32
    %c0_i32_1 = arith.constant 0 : i32
    return %c0_i32, %arg0, %c0_i32_0 : i32, i32, i32
  }
  func.func @transform_3(%arg0: i32) -> (i32, i32) {
    %c0_i32 = arith.constant 0 : i32
    %c0_i32_0 = arith.constant 0 : i32
    %c0_i32_1 = arith.constant 0 : i32
    return %c0_i32, %c0_i32_0 : i32, i32
  }
  func.func @transform_4(%arg0: i32) -> (i32, i32) {
    %c0_i32 = arith.constant 0 : i32
    %c0_i32_0 = arith.constant 0 : i32
    %c0_i32_1 = arith.constant 0 : i32
    return %c0_i32, %c0_i32_0 : i32, i32
  }
  func.func @transform_5(%arg0: i32) -> (i32, i32) {
    %c0_i32 = arith.constant 0 : i32
    %c0_i32_0 = arith.constant 0 : i32
    %c0_i32_1 = arith.constant 0 : i32
    return %c0_i32, %c0_i32_0 : i32, i32
  }
  func.func @transform_6(%arg0: i32) -> (i32, i32) {
    %c0_i32 = arith.constant 0 : i32
    %c0_i32_0 = arith.constant 0 : i32
    return %arg0, %c0_i32 : i32, i32
  }
}

</mosaic_0001>

<sc_bundles>
// kernel: kernel.4.cloned.1.call-start
scs
__scs_entry_jumppad:
0x0: {  	(pc) =	sbr.rel $0x88, $3  }
0x1: {  	(tag) =	ssettag $0x0;
	lr =	simm.s32 $0x1  }
0x2: {  	[smem:$0x3F9C] =	sst lr;
	_ =	strace $0xD0000000  }
0x3: {  	_ = 	snop  }
0x4: {  	_ = 	snop  }
0x5: {  	_ = 	snop  }
0x6: {  	_ = 	snop  }
0x7: {  	_ = 	snop  }
__scs_overlays_trampoline_lowered:
0x8: {  	[smem:$0x3FAB] =	sst s0  }
0x9: {  	[smem:$0x3FAC] =	sst s1  }
0xa: {  	[smem:$0x3FAD] =	sst s2  }
0xb: {  	[smem:$0x3FAE] =	sst s3  }
0xc: {  	[smem:$0x3FAF] =	sst s4  }
0xd: {  	[smem:$0x3FB0] =	sst s5  }
0xe: {  	[smem:$0x3FB1] =	sst s6  }
0xf: {  	[smem:$0x3FB2] =	sst s7  }
0x10: {  	[smem:$0x3FB3] =	sst s8  }
0x11: {  	[smem:$0x3FB4] =	sst s9;
	s0 =	simm.s32 @!p0 $0x0  }
0x12: {  	s1 =	sld [smem:$0x3F9A];
	s0 =	simm.s32 @p0 $0x1  }
0x13: {  	[smem:$0x3FB5] =	sst s0;
	s0 =	simm.s32 @!p1 $0x0  }
0x14: {  	s2 =	sld [smem:$0x3F99];
	s0 =	simm.s32 @p1 $0x1  }
0x15: {  	[smem:$0x3FB6] =	sst s0;
	s0 =	simm.s32 @!p2 $0x0  }
0x16: {  	s3 =	sld [smem:$0x3FDB];
	s0 =	simm.s32 @p2 $0x1  }
0x17: {  	s4 =	simm.s32 $0x1BF5;
	[smem:$0x3FB8] =	sst s0  }
0x18: {  	s0 =	sld [smem:$0x3F9B];
	_ =	swait.ge [sflag:s4], $0x0  }
0x19: {  	s7 =	sld [smem:$0x3F9C]  }
0x1a: {  	s8 =	sadd.s32 $0xFFFFE003, lr  }
0x1b: {  	s9 =	sadd.s32 $0xFFFFFEF7, lr;
	s5 =	simm.s32 $0xFFFFFFFF;
	p2 =	slt.u32 s8, $0xFFFFF086  }
0x1c: {  	p1 =	slt.u32 s9, $0xF7A;
	s5 =	simm.s32 @!p2 $0x0  }
0x1d: {  	s5 =	simm.s32 @p1 $0x1;
	p0 =	seq.s32 s7, s2  }
0x1e: {  	s7 =	smul.u32 @!p0 $0xF7A, s2;
	p2 =	seq.s32 @!p0 s5, $0x0  }
0x1f: {  	s9 =	smul.u32 $0xF7A, s1;
	s8 =	simm.s32 @!p0 $0x1BF5;
	p2 =	por !p2, p0  }
0x20: {  	[sflag:s8] =	ssyncset.s32 @!p0 $0xFFFFF086;
	s6 =	sadd.s32 @!p0 s3, s7;
	s7 =	simm.s32 @!p0 $0x108  }
0x21: {  	s3 =	sadd.s32 s3, s9;
	s6 =	sadd.s32 @!p0 $0x88, s6;
	s7 =	simm.s32 @p2 $0x1082  }
0x22: {  	[simem:s7], [sflag:s8] =	dma.local @!p0 [hbm:s6], $0xF7A  }
0x23: {  	s9 =	sor.u32 $0xD0000000, s2;
	s6 =	simm.s32 $0x108;
	_ =	swait.ge @!p0 [sflag:s8], $0x0  }
0x24: {  	s3 =	sadd.s32 $0x88, s3;
	s6 =	simm.s32 @!p1 $0x1082;
	[sflag:s4] =	ssyncset.s32 $0xFFFFF086  }
0x25: {  	[simem:s6], [sflag:s4] =	dma.local [hbm:s3], $0xF7A  }
0x26: {  	[smem:$0x3F9C] =	sst s1;
	(tag) =	ssettag s2;
	_ =	strace s9  }
0x27: {  	s1 =	sld [smem:$0x3FAC]  }
0x28: {  	s2 =	sld [smem:$0x3FAD]  }
0x29: {  	s4 =	sld [smem:$0x3FAF]  }
0x2a: {  	p0 =	seq.s32 s5, $0x0;
	s5 =	sld [smem:$0x3FB0]  }
0x2b: {  	s6 =	sld [smem:$0x3FB1]  }
0x2c: {  	s7 =	sld [smem:$0x3FB2]  }
0x2d: {  	s3 =	simm.s32 $0x108;
	s8 =	sld [smem:$0x3FB3]  }
0x2e: {  	s3 =	simm.s32 @!p0 $0x1082;
	s9 =	sld [smem:$0x3FB4]  }
0x2f: {  	lr =	sadd.s32 s0, s3;
	s0 =	sld [smem:$0x3FAB]  }
0x30: {  	s3 =	sld [smem:$0x3FAE]  }
0x31: {  	[smem:$0x3FB7] =	sst s10  }
0x32: {  	s10 =	sld [smem:$0x3FB5];
	_ =	sdelay $0x3  }
0x33: {  	p0 =	seq.s32 s10, $0x1;
	s10 =	sld [smem:$0x3FB7];
	_ =	sdelay $0x3  }
0x34: {  	[smem:$0x3FB7] =	sst s10  }
0x35: {  	s10 =	sld [smem:$0x3FB6];
	_ =	sdelay $0x3  }
0x36: {  	p1 =	seq.s32 s10, $0x1;
	s10 =	sld [smem:$0x3FB7];
	_ =	sdelay $0x3  }
0x37: {  	[smem:$0x3FB7] =	sst s10  }
0x38: {  	s10 =	sld [smem:$0x3FB8]  }
0x39: {  	_ = 	snop;
	(pc) =	sbr.ind lr, $3  }
0x3a: {  	_ = 	snop  }
0x3b: {  	_ = 	snop  }
0x3c: {  	p2 =	seq.s32 s10, $0x1;
	s10 =	sld [smem:$0x3FB7]  }
0x3d: {  	_ =	shalt  }
0x3e: {  	_ =	shalt  }
0x3f: {  	_ =	shalt  }
0x40: {  	_ =	shalt  }
0x41: {  	_ =	shalt  }
0x42: {  	_ =	shalt  }
0x43: {  	_ =	shalt  }
0x44: {  	_ =	shalt  }
0x45: {  	_ =	shalt  }
0x46: {  	_ =	shalt  }
0x47: {  	_ =	shalt  }
0x48: {  	_ =	shalt  }
0x49: {  	_ =	shalt  }
0x4a: {  	_ =	shalt  }
0x4b: {  	_ =	shalt  }
0x4c: {  	_ =	shalt  }
0x4d: {  	_ =	shalt  }
0x4e: {  	_ =	shalt  }
0x4f: {  	_ =	shalt  }
0x50: {  	_ =	shalt  }
0x51: {  	_ =	shalt  }
0x52: {  	_ =	shalt  }
0x53: {  	_ =	shalt  }
0x54: {  	_ =	shalt  }
0x55: {  	_ =	shalt  }
0x56: {  	_ =	shalt  }
0x57: {  	_ =	shalt  }
0x58: {  	_ =	shalt  }
0x59: {  	_ =	shalt  }
0x5a: {  	_ =	shalt  }
0x5b: {  	_ =	shalt  }
0x5c: {  	_ =	shalt  }
0x5d: {  	_ =	shalt  }
0x5e: {  	_ =	shalt  }
0x5f: {  	_ =	shalt  }
0x60: {  	_ =	shalt  }
0x61: {  	_ =	shalt  }
0x62: {  	_ =	shalt  }
0x63: {  	_ =	shalt  }
0x64: {  	_ =	shalt  }
0x65: {  	_ =	shalt  }
0x66: {  	_ =	shalt  }
0x67: {  	_ =	shalt  }
0x68: {  	_ =	shalt  }
0x69: {  	_ =	shalt  }
0x6a: {  	_ =	shalt  }
0x6b: {  	_ =	shalt  }
0x6c: {  	_ =	shalt  }
0x6d: {  	_ =	shalt  }
0x6e: {  	_ =	shalt  }
0x6f: {  	_ =	shalt  }
0x70: {  	_ =	shalt  }
0x71: {  	_ =	shalt  }
0x72: {  	_ =	shalt  }
0x73: {  	_ =	shalt  }
0x74: {  	_ =	shalt  }
0x75: {  	_ =	shalt  }
0x76: {  	_ =	shalt  }
0x77: {  	_ =	shalt  }
0x78: {  	_ =	shalt  }
0x79: {  	_ =	shalt  }
0x7a: {  	_ =	shalt  }
0x7b: {  	_ =	shalt  }
0x7c: {  	_ =	shalt  }
0x7d: {  	_ =	shalt  }
0x7e: {  	_ =	shalt  }
0x7f: {  	_ =	shalt  }
0x80: {  	_ =	shalt  }
0x81: {  	_ =	shalt  }
0x82: {  	_ =	shalt  }
0x83: {  	_ =	shalt  }
0x84: {  	_ =	shalt  }
0x85: {  	_ =	shalt  }
0x86: {  	_ =	shalt  }
0x87: {  	_ =	shalt  }
.Lfunc_end0:
.L_simem_size_0:
called_computation_lowered:
.L_overlay_start_0:
0x88: {  	s2 =	sld [smem:$0x3FD9]  }
0x89: {  	s3 =	sld [smem:$0x3FFE];
	_ =	sdelay $0x1  }
0x8a: {  	s1 =	srdreg.scid  }
0x8b: {  	s0 =	sand.u32 $0x1, s1  }
0x8c: {  	s17 =	sshll.u32 s0, $0xA;
	s2 =	sadd.s32 s3, s2  }
0x8d: {  	s2 =	sadd.s32 s2, s17  }
0x8e: {  	[smem:$0x3FC3] =	sst s2  }
0x8f: {  	_ = 	snop  }
0x90: {  	s2 =	sld [smem:$0x3FD0];
	(tm) =	ssettm $0x1  }
0x91: {  	s18 =	sld [smem:$0x3FFB];
	_ =	sdelay $0x3  }
0x92: {  	_ =	strace s18  }
0x93: {  	s3 =	sld [smem:$0x3FFC];
	_ =	sdelay $0x3  }
0x94: {  	_ =	strace s3  }
0x95: {  	s3 =	sld [smem:$0x3FFD];
	_ =	sdelay $0x3  }
0x96: {  	_ =	strace s3  }
0x97: {  	_ =	strace $0x8FFFFFFF  }
0x98: {  	s19 =	sld [smem:$0x3FDB];
	_ =	sdelay $0x1  }
0x99: {  	s4 =	simm.s32 $_scs_section_size  }
0x9a: {  	s5 =	simm.s32 $_size__tile_overlayer_lowered;
	s6 =	simm.s32 $_tile_overlayer_lowered  }
0x9b: {  	s22 =	simm.s32 $0x1BFF;
	s21 =	sshll.u32 s6, $0x1;
	s3 =	sadd.s32 s4, s19  }
0x9c: {  	s7 =	simm.s32 $0x0;
	s20 =	sshll.u32 s5, $0x1;
	s5 =	sadd.s32 s21, s3  }
0x9d: {  	[timem:s7], [sflag:s22] =	dma.local [hbm:s5], s20  }
0x9e: {  	_ =	swait.ge [sflag:s22], s20  }
0x9f: {  	s4 =	ssub.s32 $0x0, s20;
	[sflag:s22] =	ssyncset.done $0x0  }
0xa0: {  	[sflag:s22] =	ssyncadd.s32 s4;
	_ =	sdelay $0x1  }
0xa1: {  	s23 =	simm.s32 $0x1B8B  }
0xa2: {  	_ =	swait.ge [sflag:s23], $0x1  }
0xa3: {  	[sflag:s23] =	ssyncset.done $0x0  }
0xa4: {  	s25 =	simm.s32 $0x1B8E;
	s24 =	sld [smem:$0x3FFE];
	[sflag:s23] =	ssyncadd.s32 $0xFFFFFFFF  }
0xa5: {  	s26 =	simm.s32 $execute0_lowered;
	[smem:$0x3FD2] =	sst s25  }
0xa6: {  	s5 =	sshll.u32 s26, $0x1;
	_ =	strace $0x80000046;
	[dreg:$0x1] =	wrdreg $0xFFFFFFFF  }
0xa7: {  	s28 =	simm.s32 $_size_execute0_lowered;
	s3 =	sadd.s32 s3, s5;
	[dreg:$0x0] =	wrdreg $0x0  }
0xa8: {  	s5 =	sshll.u32 s28, $0x1;
	[dreg:$0x2] =	wrdreg s3  }
0xa9: {  	[dreg:$0x3] =	wrdreg s5  }
0xaa: {  	[dreg:$0x4] =	wrdreg $0xC0  }
0xab: {  	_ =	task [dreg:s7], $0x5FFFF  }
0xac: {  	[dreg:$0x1] =	wrdreg $0xFFFFFFFF  }
0xad: {  	[dreg:$0x0] =	wrdreg $0x60  }
0xae: {  	[dreg:$0x2] =	wrdreg s24  }
0xaf: {  	[dreg:$0x3] =	wrdreg s2  }
0xb0: {  	[dreg:$0x4] =	wrdreg $0xF8000  }
0xb1: {  	[dreg:$0x5] =	wrdreg $0x196000  }
0xb2: {  	[dreg:$0x6] =	wrdreg $0x9  }
0xb3: {  	_ =	task.clear_ibuf [dreg:s7], $0x7FFFF;
	_ =	strace $0x90000046  }
0xb4: {  	s29 =	simm.s32 $0x9;
	_ =	strace $0x80000048  }
0xb5: {  	_ =	swait.ge [sflag:s29], $0x1  }
0xb6: {  	[sflag:s29] =	ssyncadd.s32 $0xFFFFFFFF  }
0xb7: {  	_ =	strace $0x90000048  }
0xb8: {  	_ =	sfence  }
0xb9: {  	s30 =	sld [smem:$0x0];
	_ =	sdelay $0x2  }
0xba: {  	s31 =	sshll.u32 s1, $0xD;
	s1 =	sshrl.u32 s1, $0x2  }
0xbb: {  	s3 =	sand.u32 $0x4000, s31;
	s1 =	sadd.s32 s1, s30  }
0xbc: {  	s0 =	sor.u32 s3, s0;
	s1 =	sshll.u32 s1, $0x11  }
0xbd: {  	s0 =	sor.u32 s1, s0  }
0xbe: {  	s0 =	sadd.s32 $0x8F2B, s0  }
0xbf: {  	[sflag:s0] =	ssyncadd.remote.s32 $0x1  }
0xc0: {  	_ =	sfence.sel $0xFFFF  }
0xc1: {  	[dreg:$0x0] =	wrdreg $0xFFFFFFFF;
	(pc) =	sbr.abs _section_cstart, $3  }
0xc2: {  	[dreg:$0x1] =	wrdreg $0xFFFFFFFF  }
0xc3: {  	_ =	task.clear_ibuf [dreg:s7], $0x2FFFF;
	_ =	strace $0x9FFFFFFF  }
0xc4: {  	(tm) =	ssettm $0x7FFFFFFF  }
0xc5: {  	_ =	shalt  }
tec
execute0_lowered:
.L_overlay_start_1:
0x0: {  	(tag) =	ssettag $0x1  }
0x1: {  	s0 =	rddreg [dreg:$0x0]  }
0x2: {  	s1 =	rddreg [dreg:$0x1]  }
0x3: {  	s2 =	rddreg [dreg:$0x2]  }
0x4: {  	s3 =	rddreg [dreg:$0x3];
	s11 =	stileid.u32  }
0x5: {  	s4 =	srdreg.scid;
	s6 =	simm.s32 $0x0;
	s5 =	smul.u32 $0x500, s11  }
0x6: {  	s28 =	simm.s32 $0x80;
	s29 =	simm.s32 $0x7000;
	s7 =	smul.u32 $0x13C0, s11  }
0x7: {  	s30 =	simm.s32 $0x9000;
	s31 =	simm.s32 $0xD000;
	s26 =	smul.u32 $0x278, s11  }
0x8: {  	s4 =	sand.u32 $0x1, s4;
	[smem:$0x7FF] =	sst s6;
	s11 =	smul.u32 $0x13C00, s11  }
0x9: {  	s12 =	sadd.s32 $0x1200, s0;
	s24 =	sshll.u32 s4, $0x3;
	s8 =	smul.u32 $0x13C00, s4  }
0xa: {  	_ =	strace $0x80000047;
	s10 =	ssub.s32 $0x2, s4;
	[dreg:$0x5] =	wrdreg s12  }
0xb: {  	s22 =	smul.u32 $0x13C000, s4;
	p0 =	seq.s32 s4, $0x1;
	s4 =	simm.s32 $0x3  }
0xc: {  	s9 =	sadd.s32 s24, s0;
	s5 =	sadd.s32 s5, s0;
	s12 =	sshrl.u32 s10, $0x1  }
0xd: {  	s13 =	sshrl.u32 s11, $0x1;
	s14 =	sadd.s32 $0x80, s26;
	s15 =	sadd.s32 $0x100, s26  }
0xe: {  	s25 =	sadd.s32 s7, s8;
	s10 =	ssub.s32 s10, s12;
	s7 =	sadd.s32 s7, s3  }
0xf: {  	s12 =	sshll.u32 s14, $0x3;
	s16 =	sshll.u32 s15, $0x6;
	s17 =	sshll.u32 s15, $0x3  }
0x10: {  	s8 =	sadd.s32 $0x200, s26;
	s24 =	sadd.s32 $0x6400, s5;
	s5 =	sadd.s32 $0x1400, s5  }
0x11: {  	s6 =	sshrl.u32 s25, $0x3;
	s12 =	sadd.s32 s12, s3;
	s21 =	sshll.u32 s8, $0x6  }
0x12: {  	s8 =	sshll.u32 s8, $0x3;
	[dreg:$0xe] =	wrdreg s24;
	s25 =	sadd.s32 s11, s22  }
0x13: {  	[dreg:$0xf] =	wrdreg s5;
	s22 =	simm.s32 $0xF000;
	s24 =	simm.s32 $0x5000  }
0x14: {  	s5 =	simm.s32 $0x4;
	s11 =	simm.s32 $0x8;
	s0 =	sadd.s32 s6, s0  }
0x15: {  	s6 =	sadd.s32 s13, s2;
	s13 =	sshll.u32 s14, $0x6;
	[dreg:$0x7] =	wrdreg s12  }
0x16: {  	s14 =	sadd.s32 $0x180, s26;
	s12 =	sadd.s32 s16, s2;
	s23 =	sadd.s32 s21, s2  }
0x17: {  	s8 =	sadd.s32 s8, s3;
	s26 =	sshrl.u32 s25, $0x4;
	s21 =	smax.u32 s10, $0x1  }
0x18: {  	s25 =	simm.s32 $0xF400;
	s10 =	simm.s32 $0x7;
	[dreg:$0x8] =	wrdreg s12  }
0x19: {  	s13 =	sadd.s32 s13, s2;
	s18 =	sshll.u32 s14, $0x6;
	[dreg:$0xc] =	wrdreg s23  }
0x1a: {  	s12 =	sadd.s32 s17, s3;
	s20 =	sshll.u32 s14, $0x3;
	[dreg:$0xd] =	wrdreg s8  }
0x1b: {  	s23 =	simm.s32 $0xA;
	s8 =	simm.s32 $0x5;
	[dreg:$0x6] =	wrdreg s13  }
.Ltmp0:
0x1c: {  	[dreg:$0x9] =	wrdreg s12;
	s19 =	sadd.s32 s18, s2;
	(pc) =	sbr.rel .LBB2_1-.Ltmp0, $4  }
0x1d: {  	s12 =	sadd.s32 s20, s3;
	s18 =	sadd.s32 $0xB400, s9;
	s20 =	sadd.s32 $0x32600, s0  }
0x1e: {  	s0 =	simm.s32 $0xB000;
	s9 =	simm.s32 $0x6;
	[dreg:$0xa] =	wrdreg s19  }
0x1f: {  	s13 =	simm.s32 $0x0;
	[dreg:$0xb] =	wrdreg s12;
	s19 =	sadd.s32 s1, s26  }
0x20: {  	v0 =	vimm.bf16 $0.0e+00;
	s1 =	simm.s32 $0x1;
	s26 =	simm.s32 $0x2;
	s12 =	simm.s32 $0x9  }
.LBB2_8:
0x21: {  	[sflag:s12] =	ssyncadd.s32 $0xFFFFFC00  }
.LBB2_12:
0x22: {  	s14 =	stileid.u32  }
0x23: {  	s14 =	sshll.u32 s14, $0x6  }
0x24: {  	[bflag:$0x0] =	sbarrier.arrive $0xFFFF;
	s15 =	sshrl.u32 s6, $0x3;
	s14 =	sor.u32 $0x1C0A, s14  }
0x25: {  	[hbm:s19], [sflag:s14] =	dma.local [spmem:s15], $0x13C0  }
0x26: {  	s13 =	sadd.s32 $0x1, s13;
	_ =	swait.ge [sflag:s23], $0x13C0  }
0x27: {  	p1 =	sne.s32 s13, s21;
	[sflag:s23] =	ssyncset.done $0x0  }
.Ltmp1:
0x28: {  	s17 =	sshrl.u32 s7, $0x3;
	[sflag:s23] =	ssyncadd.s32 $0xFFFFEC40;
	(pc) =	sbr.rel @!p1 .LBB2_13-.Ltmp1, $4  }
0x29: {  	[hbm:s20], [sflag:s14] =	dma.local [spmem:s17], $0x278  }
0x2a: {  	_ =	swait.ge [sflag:s23], $0x278  }
0x2b: {  	[sflag:s23] =	ssyncset.done $0x0  }
0x2c: {  	[sflag:s23] =	ssyncadd.s32 $0xFFFFFD88  }
.LBB2_1:
0x2d: {  	s15 =	simm.s32 $0x0  }
0x2e: {  	s14 =	sand.u32 $0x7F00, s15;
	s15 =	sand.u32 $0x60, s15  }
0x2f: {  	s14 =	sshrl.u32 s14, $0x2;
	s15 =	sshrl.u32 s15, $0x1  }
0x30: {  	s15 =	sor.u32 s15, s14  }
0x31: {  	s14 =	simm.s32 $0x40;
	[tilespmem:s15+$0x5000] =	vst v0;
	s15 =	simm.s32 $0x0  }
.LBB2_2:
0x32: {  	p1 =	sne.s32 s14, $0x7FC0  }
.Ltmp2:
0x33: {  	s16 =	sand.u32 $0x7F00, s14;
	s15 =	sadd.s32 $0x20, s15;
	(pc) =	sbr.rel @p1 .LBB2_2-.Ltmp2, $4  }
0x34: {  	s14 =	sadd.s32 $0x40, s14;
	s17 =	sand.u32 $0x60, s15  }
0x35: {  	s16 =	sshrl.u32 s16, $0x2;
	s17 =	sshrl.u32 s17, $0x1  }
0x36: {  	s16 =	sor.u32 s17, s16  }
0x37: {  	[tilespmem:s16+$0x5000] =	vst v0  }
0x38: {  	s14 =	simm.s32 $0x0;
	s15 =	rddreg [dreg:$0x5]  }
0x39: {  	[tilespmem:s22], [sflag:$0xA] =	stream.linear.gather [hbm4b:s15+s14], $0x800, $0x38;
	[tilespmem:$0x1A9C0] =	vst v63  }
0x3a: {  	_ =	swait.ge [sflag:s23], $0x800  }
0x3b: {  	[sflag:s23] =	ssyncset.done $0x0  }
0x3c: {  	[sflag:s23] =	ssyncadd.s32 $0xFFFFF800  }
0x3d: {  	[spmem:s6] =	stream.linear.scatter [tilespmem:s24], [sflag:$0xA], $0x2000, $0x38;
	[tilespmem:$0x1A9C0] =	vst v63  }
0x3e: {  	_ =	swait.ge [sflag:s23], $0x2000  }
0x3f: {  	[sflag:s23] =	ssyncset.done $0x0  }
0x40: {  	[sflag:s23] =	ssyncadd.s32 $0xFFFFE000  }
0x41: {  	[spmem:s7] =	stream.linear.scatter [tilespmem:s25], [sflag:$0xA], $0x400, $0x38;
	[tilespmem:$0x1A9C0] =	vst v63  }
0x42: {  	_ =	swait.ge [sflag:s23], $0x400  }
0x43: {  	[sflag:s23] =	ssyncset.done $0x0  }
0x44: {  	s16 =	rddreg [dreg:$0x6];
	[sflag:s23] =	ssyncadd.s32 $0xFFFFFC00  }
0x45: {  	[spmem:s16] =	stream.linear.scatter [tilespmem:s24], [sflag:$0xA], $0x2000, $0x38;
	[tilespmem:$0x1A9C0] =	vst v63  }
0x46: {  	_ =	swait.ge [sflag:s23], $0x2000  }
0x47: {  	[sflag:s23] =	ssyncset.done $0x0  }
0x48: {  	s17 =	rddreg [dreg:$0x7];
	[sflag:s23] =	ssyncadd.s32 $0xFFFFE000  }
0x49: {  	[spmem:s17] =	stream.linear.scatter [tilespmem:s25], [sflag:$0xA], $0x400, $0x38;
	[tilespmem:$0x1A9C0] =	vst v63  }
0x4a: {  	_ =	swait.ge [sflag:s23], $0x400  }
0x4b: {  	[sflag:s23] =	ssyncset.done $0x0  }
0x4c: {  	s16 =	rddreg [dreg:$0x8];
	[sflag:s23] =	ssyncadd.s32 $0xFFFFFC00  }
0x4d: {  	[spmem:s16] =	stream.linear.scatter [tilespmem:s24], [sflag:$0xA], $0x2000, $0x38;
	[tilespmem:$0x1A9C0] =	vst v63  }
0x4e: {  	_ =	swait.ge [sflag:s23], $0x2000  }
0x4f: {  	[sflag:s23] =	ssyncset.done $0x0  }
0x50: {  	s17 =	rddreg [dreg:$0x9];
	[sflag:s23] =	ssyncadd.s32 $0xFFFFE000  }
0x51: {  	[spmem:s17] =	stream.linear.scatter [tilespmem:s25], [sflag:$0xA], $0x400, $0x38;
	[tilespmem:$0x1A9C0] =	vst v63  }
0x52: {  	_ =	swait.ge [sflag:s23], $0x400  }
0x53: {  	[sflag:s23] =	ssyncset.done $0x0  }
0x54: {  	s16 =	rddreg [dreg:$0xa];
	[sflag:s23] =	ssyncadd.s32 $0xFFFFFC00  }
0x55: {  	[spmem:s16] =	stream.linear.scatter [tilespmem:s24], [sflag:$0xA], $0x2000, $0x38;
	[tilespmem:$0x1A9C0] =	vst v63  }
0x56: {  	_ =	swait.ge [sflag:s23], $0x2000  }
0x57: {  	[sflag:s23] =	ssyncset.done $0x0  }
0x58: {  	s17 =	rddreg [dreg:$0xb];
	[sflag:s23] =	ssyncadd.s32 $0xFFFFE000  }
0x59: {  	[spmem:s17] =	stream.linear.scatter [tilespmem:s25], [sflag:$0xA], $0x400, $0x38;
	[tilespmem:$0x1A9C0] =	vst v63  }
0x5a: {  	_ =	swait.ge [sflag:s23], $0x400  }
0x5b: {  	[sflag:s23] =	ssyncset.done $0x0  }
0x5c: {  	s16 =	rddreg [dreg:$0xc];
	[sflag:s23] =	ssyncadd.s32 $0xFFFFFC00  }
0x5d: {  	[spmem:s16] =	stream.linear.scatter [tilespmem:s24], [sflag:$0xA], $0x1E00, $0x38;
	[tilespmem:$0x1A9C0] =	vst v63  }
0x5e: {  	_ =	swait.ge [sflag:s23], $0x1E00  }
0x5f: {  	[sflag:s23] =	ssyncset.done $0x0  }
0x60: {  	s17 =	rddreg [dreg:$0xd];
	[sflag:s23] =	ssyncadd.s32 $0xFFFFE200  }
0x61: {  	[spmem:s17] =	stream.linear.scatter [tilespmem:s25], [sflag:$0xA], $0x3C0, $0x38;
	[tilespmem:$0x1A9C0] =	vst v63  }
0x62: {  	_ =	swait.ge [sflag:s23], $0x3C0  }
0x63: {  	[sflag:s23] =	ssyncset.done $0x0  }
0x64: {  	s16 =	rddreg [dreg:$0xe];
	[sflag:s23] =	ssyncadd.s32 $0xFFFFFC40  }
0x65: {  	[tilespmem:s14], [sflag:$0xA] =	stream.linear.gather [hbm4b:s16+s14], $0x2800, $0x38;
	[tilespmem:$0x1A9C0] =	vst v63  }
0x66: {  	_ =	swait.ge [sflag:s23], $0x2800  }
0x67: {  	[sflag:s23] =	ssyncset.done $0x0  }
0x68: {  	s16 =	simm.s32 $0x2800;
	s17 =	rddreg [dreg:$0xf];
	[sflag:s23] =	ssyncadd.s32 $0xFFFFD800  }
0x69: {  	[tilespmem:s16], [sflag:$0xA] =	stream.linear.gather [hbm4b:s17+s14], $0x2800, $0x38;
	[tilespmem:$0x1A9C0] =	vst v63  }
0x6a: {  	_ =	swait.ge [sflag:s23], $0x2800  }
0x6b: {  	[sflag:s23] =	ssyncset.done $0x0  }
0x6c: {  	[sflag:s23] =	ssyncadd.s32 $0xFFFFD800  }
0x6d: {  	[bflag:$0x0] =	sbarrier.arrive $0xFFFF  }
0x6e: {  	[tilespmem:s29], [sflag:$0x1] =	stream.indirect.gather [hbm4b:s18+s28], $0x40, s14, s28, $0xb8;
	[tilespmem:$0x1A9C0] =	vst v63  }
0x6f: {  	_ = 	snop  }
0x70: {  	[tilespmem:s30], [sflag:$0x2] =	stream.indirect.gather [hbm4b:s18+s28], $0x40, s28, s28, $0xb8;
	[tilespmem:$0x1A9C0] =	vst v63  }
0x71: {  	s15 =	simm.s32 $0x100  }
0x72: {  	[tilespmem:s0], [sflag:$0x3] =	stream.indirect.gather [hbm4b:s18+s28], $0x40, s15, s28, $0xb8;
	[tilespmem:$0x1A9C0] =	vst v63  }
0x73: {  	s16 =	simm.s32 $0x180  }
0x74: {  	[tilespmem:s31], [sflag:$0x4] =	stream.indirect.gather [hbm4b:s18+s28], $0x40, s16, s28, $0xb8;
	[tilespmem:$0x1A9C0] =	vst v63  }
0x75: {  	_ =	swait.ge [sflag:s1], $0x2000  }
0x76: {  	[sflag:s1] =	ssyncset.done $0x0  }
0x77: {  	s17 =	simm.s32 $0x2800;
	[sflag:s1] =	ssyncadd.s32 $0xFFFFE000  }
0x78: {  	[spmem:s2] =	stream.indirect.scatter.add.bf16 [tilespmem:s29], [sflag:$0x5], $0x40, s17, s28, $0xb8;
	[tilespmem:$0x1A9C0] =	vst v63  }
0x79: {  	_ =	swait.ge [sflag:s26], $0x2000  }
0x7a: {  	[sflag:s26] =	ssyncset.done $0x0  }
0x7b: {  	s15 =	simm.s32 $0x2880;
	[sflag:s26] =	ssyncadd.s32 $0xFFFFE000  }
0x7c: {  	[spmem:s2] =	stream.indirect.scatter.add.bf16 [tilespmem:s30], [sflag:$0x6], $0x40, s15, s28, $0xb8;
	[tilespmem:$0x1A9C0] =	vst v63  }
0x7d: {  	_ =	swait.ge [sflag:s4], $0x2000  }
0x7e: {  	[sflag:s4] =	ssyncset.done $0x0  }
0x7f: {  	s16 =	simm.s32 $0x2900;
	[sflag:s4] =	ssyncadd.s32 $0xFFFFE000  }
0x80: {  	[spmem:s2] =	stream.indirect.scatter.add.bf16 [tilespmem:s0], [sflag:$0x7], $0x40, s16, s28, $0xb8;
	[tilespmem:$0x1A9C0] =	vst v63  }
0x81: {  	_ =	swait.ge [sflag:s5], $0x2000  }
0x82: {  	[sflag:s5] =	ssyncset.done $0x0  }
0x83: {  	s17 =	simm.s32 $0x2980;
	[sflag:s5] =	ssyncadd.s32 $0xFFFFE000  }
0x84: {  	[spmem:s2] =	stream.indirect.scatter.add.bf16 [tilespmem:s31], [sflag:$0x8], $0x40, s17, s28, $0xb8;
	[tilespmem:$0x1A9C0] =	vst v63  }
0x85: {  	_ =	swait.ge [sflag:s8], $0x2000  }
0x86: {  	[sflag:s8] =	ssyncset.done $0x0  }
0x87: {  	s15 =	simm.s32 $0x200;
	[sflag:s8] =	ssyncadd.s32 $0xFFFFE000  }
0x88: {  	[tilespmem:s29], [sflag:$0x1] =	stream.indirect.gather [hbm4b:s18+s28], $0x40, s15, s28, $0xb8;
	[tilespmem:$0x1A9C0] =	vst v63  }
0x89: {  	_ =	swait.ge [sflag:s9], $0x2000  }
0x8a: {  	[sflag:s9] =	ssyncset.done $0x0  }
0x8b: {  	s16 =	simm.s32 $0x280;
	[sflag:s9] =	ssyncadd.s32 $0xFFFFE000  }
0x8c: {  	[tilespmem:s30], [sflag:$0x2] =	stream.indirect.gather [hbm4b:s18+s28], $0x40, s16, s28, $0xb8;
	[tilespmem:$0x1A9C0] =	vst v63  }
0x8d: {  	_ =	swait.ge [sflag:s10], $0x2000  }
0x8e: {  	[sflag:s10] =	ssyncset.done $0x0  }
0x8f: {  	s17 =	simm.s32 $0x300;
	[sflag:s10] =	ssyncadd.s32 $0xFFFFE000  }
0x90: {  	[tilespmem:s0], [sflag:$0x3] =	stream.indirect.gather [hbm4b:s18+s28], $0x40, s17, s28, $0xb8;
	[tilespmem:$0x1A9C0] =	vst v63  }
0x91: {  	_ =	swait.ge [sflag:s11], $0x2000  }
0x92: {  	[sflag:s11] =	ssyncset.done $0x0  }
0x93: {  	s14 =	simm.s32 $0x800;
	s15 =	simm.s32 $0x380;
	[sflag:s11] =	ssyncadd.s32 $0xFFFFE000  }
.LBB2_4:
0x94: {  	[tilespmem:s31], [sflag:$0x4] =	stream.indirect.gather [hbm4b:s18+s28], $0x40, s15, s28, $0xb8;
	[tilespmem:$0x1A9C0] =	vst v63  }
0x95: {  	s15 =	smov.u32 s14  }
0x96: {  	p1 =	sne.s32 s14, $0x9000;
	s14 =	sadd.s32 $0x800, s14;
	_ =	swait.ge [sflag:s1], $0x2000  }
0x97: {  	s15 =	sshra.s32 s15, $0x2;
	[sflag:s1] =	ssyncset.done $0x0  }
0x98: {  	s16 =	sadd.s32 $0x2800, s15;
	[sflag:s1] =	ssyncadd.s32 $0xFFFFE000  }
0x99: {  	[spmem:s2] =	stream.indirect.scatter.add.bf16 [tilespmem:s29], [sflag:$0x5], $0x40, s16, s28, $0xb8;
	[tilespmem:$0x1A9C0] =	vst v63  }
0x9a: {  	_ =	swait.ge [sflag:s26], $0x2000  }
0x9b: {  	[sflag:s26] =	ssyncset.done $0x0  }
0x9c: {  	s16 =	sadd.s32 $0x2880, s15;
	[sflag:s26] =	ssyncadd.s32 $0xFFFFE000  }
0x9d: {  	[spmem:s2] =	stream.indirect.scatter.add.bf16 [tilespmem:s30], [sflag:$0x6], $0x40, s16, s28, $0xb8;
	[tilespmem:$0x1A9C0] =	vst v63  }
0x9e: {  	_ =	swait.ge [sflag:s4], $0x2000  }
0x9f: {  	[sflag:s4] =	ssyncset.done $0x0  }
0xa0: {  	s16 =	sadd.s32 $0x2900, s15;
	[sflag:s4] =	ssyncadd.s32 $0xFFFFE000  }
0xa1: {  	[spmem:s2] =	stream.indirect.scatter.add.bf16 [tilespmem:s0], [sflag:$0x7], $0x40, s16, s28, $0xb8;
	[tilespmem:$0x1A9C0] =	vst v63  }
0xa2: {  	_ =	swait.ge [sflag:s5], $0x2000  }
0xa3: {  	[sflag:s5] =	ssyncset.done $0x0  }
0xa4: {  	s16 =	sadd.s32 $0x2980, s15;
	[sflag:s5] =	ssyncadd.s32 $0xFFFFE000  }
0xa5: {  	[spmem:s2] =	stream.indirect.scatter.add.bf16 [tilespmem:s31], [sflag:$0x8], $0x40, s16, s28, $0xb8;
	[tilespmem:$0x1A9C0] =	vst v63  }
0xa6: {  	_ =	swait.ge [sflag:s8], $0x2000  }
0xa7: {  	[sflag:s8] =	ssyncset.done $0x0  }
0xa8: {  	s16 =	sadd.s32 $0x200, s15;
	[sflag:s8] =	ssyncadd.s32 $0xFFFFE000  }
0xa9: {  	[tilespmem:s29], [sflag:$0x1] =	stream.indirect.gather [hbm4b:s18+s28], $0x40, s16, s28, $0xb8;
	[tilespmem:$0x1A9C0] =	vst v63  }
0xaa: {  	_ =	swait.ge [sflag:s9], $0x2000  }
0xab: {  	[sflag:s9] =	ssyncset.done $0x0  }
0xac: {  	s16 =	sadd.s32 $0x280, s15;
	[sflag:s9] =	ssyncadd.s32 $0xFFFFE000  }
0xad: {  	[tilespmem:s30], [sflag:$0x2] =	stream.indirect.gather [hbm4b:s18+s28], $0x40, s16, s28, $0xb8;
	[tilespmem:$0x1A9C0] =	vst v63  }
0xae: {  	_ =	swait.ge [sflag:s10], $0x2000  }
0xaf: {  	[sflag:s10] =	ssyncset.done $0x0  }
.Ltmp3:
0xb0: {  	s16 =	sadd.s32 $0x300, s15;
	[sflag:s10] =	ssyncadd.s32 $0xFFFFE000;
	(pc) =	sbr.rel @p1 .LBB2_4-.Ltmp3, $4  }
0xb1: {  	[tilespmem:s0], [sflag:$0x3] =	stream.indirect.gather [hbm4b:s18+s28], $0x40, s16, s28, $0xb8;
	[tilespmem:$0x1A9C0] =	vst v63  }
0xb2: {  	_ =	swait.ge [sflag:s11], $0x2000  }
0xb3: {  	[sflag:s11] =	ssyncset.done $0x0  }
0xb4: {  	s15 =	sadd.s32 $0x380, s15;
	[sflag:s11] =	ssyncadd.s32 $0xFFFFE000  }
0xb5: {  	[tilespmem:s31], [sflag:$0x4] =	stream.indirect.gather [hbm4b:s18+s28], $0x40, s15, s28, $0xb8;
	[tilespmem:$0x1A9C0] =	vst v63  }
0xb6: {  	_ =	swait.ge [sflag:s1], $0x2000  }
0xb7: {  	[sflag:s1] =	ssyncset.done $0x0  }
0xb8: {  	s14 =	simm.s32 $0x4E00;
	[sflag:s1] =	ssyncadd.s32 $0xFFFFE000  }
0xb9: {  	[spmem:s2] =	stream.indirect.scatter.add.bf16 [tilespmem:s29], [sflag:$0x5], $0x40, s14, s28, $0xb8;
	[tilespmem:$0x1A9C0] =	vst v63  }
0xba: {  	_ =	swait.ge [sflag:s26], $0x2000  }
0xbb: {  	[sflag:s26] =	ssyncset.done $0x0  }
0xbc: {  	s15 =	simm.s32 $0x4E80;
	[sflag:s26] =	ssyncadd.s32 $0xFFFFE000  }
0xbd: {  	[spmem:s2] =	stream.indirect.scatter.add.bf16 [tilespmem:s30], [sflag:$0x6], $0x40, s15, s28, $0xb8;
	[tilespmem:$0x1A9C0] =	vst v63  }
0xbe: {  	_ =	swait.ge [sflag:s4], $0x2000  }
0xbf: {  	[sflag:s4] =	ssyncset.done $0x0  }
0xc0: {  	s16 =	simm.s32 $0x4F00;
	[sflag:s4] =	ssyncadd.s32 $0xFFFFE000  }
0xc1: {  	[spmem:s2] =	stream.indirect.scatter.add.bf16 [tilespmem:s0], [sflag:$0x7], $0x40, s16, s28, $0xb8;
	[tilespmem:$0x1A9C0] =	vst v63  }
0xc2: {  	_ =	swait.ge [sflag:s5], $0x2000  }
0xc3: {  	[sflag:s5] =	ssyncset.done $0x0  }
0xc4: {  	s17 =	simm.s32 $0x4F80;
	[sflag:s5] =	ssyncadd.s32 $0xFFFFE000  }
0xc5: {  	[spmem:s2] =	stream.indirect.scatter.add.bf16 [tilespmem:s31], [sflag:$0x8], $0x40, s17, s28, $0xb8;
	[tilespmem:$0x1A9C0] =	vst v63  }
0xc6: {  	_ =	swait.ge [sflag:s8], $0x2000  }
0xc7: {  	[sflag:s8] =	ssyncset.done $0x0  }
0xc8: {  	[sflag:s8] =	ssyncadd.s32 $0xFFFFE000  }
0xc9: {  	_ =	swait.ge [sflag:s9], $0x2000  }
0xca: {  	[sflag:s9] =	ssyncset.done $0x0  }
0xcb: {  	[sflag:s9] =	ssyncadd.s32 $0xFFFFE000  }
0xcc: {  	_ =	swait.ge [sflag:s10], $0x2000  }
.Ltmp4:
0xcd: {  	[sflag:s10] =	ssyncset.done $0x0;
	(pc) =	sbr.rel @!p0 .LBB2_6-.Ltmp4, $4  }
0xce: {  	[sflag:s10] =	ssyncadd.s32 $0xFFFFE000  }
0xcf: {  	_ =	swait.ge [sflag:s11], $0x2000  }
0xd0: {  	[sflag:s11] =	ssyncset.done $0x0  }
0xd1: {  	[sflag:s11] =	ssyncadd.s32 $0xFFFFE000  }
0xd2: {  	s24 =	smov.u32 s7;
	s7 =	smov.u32 s6;
	s6 =	smov.u32 s21  }
0xd3: {  	s21 =	smov.u32 s20;
	s20 =	smov.u32 s19;
	s19 =	simm.s32 $0x3C00  }
0xd4: {  	[spmem:s3] =	stream.indirect.scatter.add.f32 [tilespmem:s22], [sflag:$0x9], $0x8, s19, s28, $0xb8;
	[tilespmem:$0x1A9C0] =	vst v63  }
0xd5: {  	s19 =	simm.s32 $0x3C80  }
0xd6: {  	[spmem:s3] =	stream.indirect.scatter.add.f32 [tilespmem:s22], [sflag:$0x9], $0x8, s19, s28, $0xb8;
	[tilespmem:$0x1A9C0] =	vst v63  }
0xd7: {  	s19 =	simm.s32 $0x3D00  }
0xd8: {  	[spmem:s3] =	stream.indirect.scatter.add.f32 [tilespmem:s22], [sflag:$0x9], $0x8, s19, s28, $0xb8;
	[tilespmem:$0x1A9C0] =	vst v63  }
0xd9: {  	s19 =	simm.s32 $0x3D80  }
0xda: {  	[spmem:s3] =	stream.indirect.scatter.add.f32 [tilespmem:s22], [sflag:$0x9], $0x8, s19, s28, $0xb8;
	[tilespmem:$0x1A9C0] =	vst v63  }
0xdb: {  	s19 =	simm.s32 $0x3E00  }
0xdc: {  	[spmem:s3] =	stream.indirect.scatter.add.f32 [tilespmem:s22], [sflag:$0x9], $0x8, s19, s28, $0xb8;
	[tilespmem:$0x1A9C0] =	vst v63  }
0xdd: {  	s19 =	simm.s32 $0x3E80  }
0xde: {  	[spmem:s3] =	stream.indirect.scatter.add.f32 [tilespmem:s22], [sflag:$0x9], $0x8, s19, s28, $0xb8;
	[tilespmem:$0x1A9C0] =	vst v63  }
0xdf: {  	s19 =	simm.s32 $0x3F00  }
0xe0: {  	[spmem:s3] =	stream.indirect.scatter.add.f32 [tilespmem:s22], [sflag:$0x9], $0x8, s19, s28, $0xb8;
	[tilespmem:$0x1A9C0] =	vst v63  }
0xe1: {  	s19 =	simm.s32 $0x3F80  }
0xe2: {  	[spmem:s3] =	stream.indirect.scatter.add.f32 [tilespmem:s22], [sflag:$0x9], $0x8, s19, s28, $0xb8;
	[tilespmem:$0x1A9C0] =	vst v63  }
0xe3: {  	s19 =	simm.s32 $0x4000  }
0xe4: {  	[spmem:s3] =	stream.indirect.scatter.add.f32 [tilespmem:s22], [sflag:$0x9], $0x8, s19, s28, $0xb8;
	[tilespmem:$0x1A9C0] =	vst v63  }
0xe5: {  	s19 =	simm.s32 $0x4080  }
0xe6: {  	[spmem:s3] =	stream.indirect.scatter.add.f32 [tilespmem:s22], [sflag:$0x9], $0x8, s19, s28, $0xb8;
	[tilespmem:$0x1A9C0] =	vst v63  }
0xe7: {  	s19 =	simm.s32 $0x4100  }
0xe8: {  	[spmem:s3] =	stream.indirect.scatter.add.f32 [tilespmem:s22], [sflag:$0x9], $0x8, s19, s28, $0xb8;
	[tilespmem:$0x1A9C0] =	vst v63  }
0xe9: {  	s19 =	simm.s32 $0x4180  }
0xea: {  	[spmem:s3] =	stream.indirect.scatter.add.f32 [tilespmem:s22], [sflag:$0x9], $0x8, s19, s28, $0xb8;
	[tilespmem:$0x1A9C0] =	vst v63  }
0xeb: {  	s19 =	simm.s32 $0x4200  }
0xec: {  	[spmem:s3] =	stream.indirect.scatter.add.f32 [tilespmem:s22], [sflag:$0x9], $0x8, s19, s28, $0xb8;
	[tilespmem:$0x1A9C0] =	vst v63  }
0xed: {  	s19 =	simm.s32 $0x4280  }
0xee: {  	[spmem:s3] =	stream.indirect.scatter.add.f32 [tilespmem:s22], [sflag:$0x9], $0x8, s19, s28, $0xb8;
	[tilespmem:$0x1A9C0] =	vst v63  }
0xef: {  	s19 =	simm.s32 $0x4300  }
0xf0: {  	[spmem:s3] =	stream.indirect.scatter.add.f32 [tilespmem:s22], [sflag:$0x9], $0x8, s19, s28, $0xb8;
	[tilespmem:$0x1A9C0] =	vst v63  }
0xf1: {  	s19 =	simm.s32 $0x4380  }
0xf2: {  	[spmem:s3] =	stream.indirect.scatter.add.f32 [tilespmem:s22], [sflag:$0x9], $0x8, s19, s28, $0xb8;
	[tilespmem:$0x1A9C0] =	vst v63  }
0xf3: {  	s19 =	simm.s32 $0x4400  }
0xf4: {  	[spmem:s3] =	stream.indirect.scatter.add.f32 [tilespmem:s22], [sflag:$0x9], $0x8, s19, s28, $0xb8;
	[tilespmem:$0x1A9C0] =	vst v63  }
0xf5: {  	s19 =	simm.s32 $0x4480  }
0xf6: {  	[spmem:s3] =	stream.indirect.scatter.add.f32 [tilespmem:s22], [sflag:$0x9], $0x8, s19, s28, $0xb8;
	[tilespmem:$0x1A9C0] =	vst v63  }
0xf7: {  	s19 =	simm.s32 $0x4500  }
0xf8: {  	[spmem:s3] =	stream.indirect.scatter.add.f32 [tilespmem:s22], [sflag:$0x9], $0x8, s19, s28, $0xb8;
	[tilespmem:$0x1A9C0] =	vst v63  }
0xf9: {  	s19 =	simm.s32 $0x4580  }
0xfa: {  	[spmem:s3] =	stream.indirect.scatter.add.f32 [tilespmem:s22], [sflag:$0x9], $0x8, s19, s28, $0xb8;
	[tilespmem:$0x1A9C0] =	vst v63  }
0xfb: {  	s19 =	simm.s32 $0x4600  }
0xfc: {  	[spmem:s3] =	stream.indirect.scatter.add.f32 [tilespmem:s22], [sflag:$0x9], $0x8, s19, s28, $0xb8;
	[tilespmem:$0x1A9C0] =	vst v63  }
0xfd: {  	s19 =	simm.s32 $0x4680  }
0xfe: {  	[spmem:s3] =	stream.indirect.scatter.add.f32 [tilespmem:s22], [sflag:$0x9], $0x8, s19, s28, $0xb8;
	[tilespmem:$0x1A9C0] =	vst v63  }
0xff: {  	s19 =	simm.s32 $0x4700  }
0x100: {  	[spmem:s3] =	stream.indirect.scatter.add.f32 [tilespmem:s22], [sflag:$0x9], $0x8, s19, s28, $0xb8;
	[tilespmem:$0x1A9C0] =	vst v63  }
0x101: {  	s19 =	simm.s32 $0x4780  }
0x102: {  	[spmem:s3] =	stream.indirect.scatter.add.f32 [tilespmem:s22], [sflag:$0x9], $0x8, s19, s28, $0xb8;
	[tilespmem:$0x1A9C0] =	vst v63  }
0x103: {  	s19 =	simm.s32 $0x4800  }
0x104: {  	[spmem:s3] =	stream.indirect.scatter.add.f32 [tilespmem:s22], [sflag:$0x9], $0x8, s19, s28, $0xb8;
	[tilespmem:$0x1A9C0] =	vst v63  }
0x105: {  	s19 =	simm.s32 $0x4880  }
0x106: {  	[spmem:s3] =	stream.indirect.scatter.add.f32 [tilespmem:s22], [sflag:$0x9], $0x8, s19, s28, $0xb8;
	[tilespmem:$0x1A9C0] =	vst v63  }
0x107: {  	s19 =	simm.s32 $0x4900  }
0x108: {  	[spmem:s3] =	stream.indirect.scatter.add.f32 [tilespmem:s22], [sflag:$0x9], $0x8, s19, s28, $0xb8;
	[tilespmem:$0x1A9C0] =	vst v63  }
0x109: {  	s19 =	simm.s32 $0x4980  }
0x10a: {  	[spmem:s3] =	stream.indirect.scatter.add.f32 [tilespmem:s22], [sflag:$0x9], $0x8, s19, s28, $0xb8;
	[tilespmem:$0x1A9C0] =	vst v63  }
0x10b: {  	s19 =	simm.s32 $0x4A00  }
0x10c: {  	[spmem:s3] =	stream.indirect.scatter.add.f32 [tilespmem:s22], [sflag:$0x9], $0x8, s19, s28, $0xb8;
	[tilespmem:$0x1A9C0] =	vst v63  }
0x10d: {  	s19 =	simm.s32 $0x4A80  }
0x10e: {  	[spmem:s3] =	stream.indirect.scatter.add.f32 [tilespmem:s22], [sflag:$0x9], $0x8, s19, s28, $0xb8;
	[tilespmem:$0x1A9C0] =	vst v63  }
0x10f: {  	s19 =	simm.s32 $0x4B00  }
0x110: {  	[spmem:s3] =	stream.indirect.scatter.add.f32 [tilespmem:s22], [sflag:$0x9], $0x8, s19, s28, $0xb8;
	[tilespmem:$0x1A9C0] =	vst v63  }
0x111: {  	s19 =	simm.s32 $0x4B80  }
0x112: {  	[spmem:s3] =	stream.indirect.scatter.add.f32 [tilespmem:s22], [sflag:$0x9], $0x8, s19, s28, $0xb8;
	[tilespmem:$0x1A9C0] =	vst v63  }
0x113: {  	s19 =	simm.s32 $0x4C00  }
0x114: {  	[spmem:s3] =	stream.indirect.scatter.add.f32 [tilespmem:s22], [sflag:$0x9], $0x8, s19, s28, $0xb8;
	[tilespmem:$0x1A9C0] =	vst v63  }
0x115: {  	s19 =	simm.s32 $0x4C80  }
0x116: {  	[spmem:s3] =	stream.indirect.scatter.add.f32 [tilespmem:s22], [sflag:$0x9], $0x8, s19, s28, $0xb8;
	[tilespmem:$0x1A9C0] =	vst v63  }
0x117: {  	s19 =	simm.s32 $0x4D00  }
0x118: {  	[spmem:s3] =	stream.indirect.scatter.add.f32 [tilespmem:s22], [sflag:$0x9], $0x8, s19, s28, $0xb8;
	[tilespmem:$0x1A9C0] =	vst v63  }
0x119: {  	s19 =	simm.s32 $0x4D80  }
0x11a: {  	[spmem:s3] =	stream.indirect.scatter.add.f32 [tilespmem:s22], [sflag:$0x9], $0x8, s19, s28, $0xb8;
	[tilespmem:$0x1A9C0] =	vst v63  }
0x11b: {  	_ = 	snop  }
0x11c: {  	[spmem:s3] =	stream.indirect.scatter.add.f32 [tilespmem:s22], [sflag:$0x9], $0x8, s14, s28, $0xb8;
	[tilespmem:$0x1A9C0] =	vst v63  }
0x11d: {  	_ = 	snop  }
0x11e: {  	[spmem:s3] =	stream.indirect.scatter.add.f32 [tilespmem:s22], [sflag:$0x9], $0x8, s15, s28, $0xb8;
	[tilespmem:$0x1A9C0] =	vst v63  }
0x11f: {  	_ = 	snop  }
0x120: {  	[spmem:s3] =	stream.indirect.scatter.add.f32 [tilespmem:s22], [sflag:$0x9], $0x8, s16, s28, $0xb8;
	[tilespmem:$0x1A9C0] =	vst v63  }
0x121: {  	_ = 	snop  }
0x122: {  	[spmem:s3] =	stream.indirect.scatter.add.f32 [tilespmem:s22], [sflag:$0x9], $0x8, s17, s28, $0xb8;
	[tilespmem:$0x1A9C0] =	vst v63  }
0x123: {  	_ =	swait.ge [sflag:s12], $0x400  }
0x124: {  	s19 =	smov.u32 s20;
	s14 =	simm.s32 $0x27;
	[sflag:s12] =	ssyncset.done $0x0  }
.LBB2_10:
0x125: {  	p1 =	sne.s32 s14, $0x1;
	s14 =	sadd.s32 $0xFFFFFFFF, s14;
	[sflag:s12] =	ssyncadd.s32 $0xFFFFFC00  }
.Ltmp5:
0x126: {  	(pc) =	sbr.rel @p1 .LBB2_10-.Ltmp5, $3  }
0x127: {  	_ =	sdelay $0x1  }
0x128: {  	_ =	swait.ge [sflag:s12], $0x400  }
0x129: {  	[sflag:s12] =	ssyncset.done $0x0  }
.Ltmp6:
0x12a: {  	(pc) =	sbr.rel .LBB2_12-.Ltmp6, $3  }
0x12b: {  	_ =	sdelay $0x1  }
0x12c: {  	[sflag:s12] =	ssyncadd.s32 $0xFFFFFC00;
	s20 =	smov.u32 s21;
	s21 =	smov.u32 s6  }
0x12d: {  	s6 =	smov.u32 s7;
	s7 =	smov.u32 s24;
	s24 =	simm.s32 $0x5000  }
.LBB2_6:
0x12e: {  	s14 =	simm.s32 $0x2800  }
0x12f: {  	[spmem:s3] =	stream.indirect.scatter.add.f32 [tilespmem:s22], [sflag:$0x9], $0x8, s14, s28, $0xb8;
	[tilespmem:$0x1A9C0] =	vst v63  }
0x130: {  	s15 =	simm.s32 $0x2880  }
0x131: {  	[spmem:s3] =	stream.indirect.scatter.add.f32 [tilespmem:s22], [sflag:$0x9], $0x8, s15, s28, $0xb8;
	[tilespmem:$0x1A9C0] =	vst v63  }
0x132: {  	s16 =	simm.s32 $0x2900  }
0x133: {  	[spmem:s3] =	stream.indirect.scatter.add.f32 [tilespmem:s22], [sflag:$0x9], $0x8, s16, s28, $0xb8;
	[tilespmem:$0x1A9C0] =	vst v63  }
0x134: {  	s17 =	simm.s32 $0x2980  }
0x135: {  	[spmem:s3] =	stream.indirect.scatter.add.f32 [tilespmem:s22], [sflag:$0x9], $0x8, s17, s28, $0xb8;
	[tilespmem:$0x1A9C0] =	vst v63  }
0x136: {  	s15 =	simm.s32 $0x2A00  }
0x137: {  	[spmem:s3] =	stream.indirect.scatter.add.f32 [tilespmem:s22], [sflag:$0x9], $0x8, s15, s28, $0xb8;
	[tilespmem:$0x1A9C0] =	vst v63  }
0x138: {  	s16 =	simm.s32 $0x2A80  }
0x139: {  	[spmem:s3] =	stream.indirect.scatter.add.f32 [tilespmem:s22], [sflag:$0x9], $0x8, s16, s28, $0xb8;
	[tilespmem:$0x1A9C0] =	vst v63  }
0x13a: {  	s17 =	simm.s32 $0x2B00  }
0x13b: {  	[spmem:s3] =	stream.indirect.scatter.add.f32 [tilespmem:s22], [sflag:$0x9], $0x8, s17, s28, $0xb8;
	[tilespmem:$0x1A9C0] =	vst v63  }
0x13c: {  	s15 =	simm.s32 $0x2B80  }
0x13d: {  	[spmem:s3] =	stream.indirect.scatter.add.f32 [tilespmem:s22], [sflag:$0x9], $0x8, s15, s28, $0xb8;
	[tilespmem:$0x1A9C0] =	vst v63  }
0x13e: {  	s16 =	simm.s32 $0x2C00  }
0x13f: {  	[spmem:s3] =	stream.indirect.scatter.add.f32 [tilespmem:s22], [sflag:$0x9], $0x8, s16, s28, $0xb8;
	[tilespmem:$0x1A9C0] =	vst v63  }
0x140: {  	s17 =	simm.s32 $0x2C80  }
0x141: {  	[spmem:s3] =	stream.indirect.scatter.add.f32 [tilespmem:s22], [sflag:$0x9], $0x8, s17, s28, $0xb8;
	[tilespmem:$0x1A9C0] =	vst v63  }
0x142: {  	s15 =	simm.s32 $0x2D00  }
0x143: {  	[spmem:s3] =	stream.indirect.scatter.add.f32 [tilespmem:s22], [sflag:$0x9], $0x8, s15, s28, $0xb8;
	[tilespmem:$0x1A9C0] =	vst v63  }
0x144: {  	s16 =	simm.s32 $0x2D80  }
0x145: {  	[spmem:s3] =	stream.indirect.scatter.add.f32 [tilespmem:s22], [sflag:$0x9], $0x8, s16, s28, $0xb8;
	[tilespmem:$0x1A9C0] =	vst v63  }
0x146: {  	s17 =	simm.s32 $0x2E00  }
0x147: {  	[spmem:s3] =	stream.indirect.scatter.add.f32 [tilespmem:s22], [sflag:$0x9], $0x8, s17, s28, $0xb8;
	[tilespmem:$0x1A9C0] =	vst v63  }
0x148: {  	s15 =	simm.s32 $0x2E80  }
0x149: {  	[spmem:s3] =	stream.indirect.scatter.add.f32 [tilespmem:s22], [sflag:$0x9], $0x8, s15, s28, $0xb8;
	[tilespmem:$0x1A9C0] =	vst v63  }
0x14a: {  	s16 =	simm.s32 $0x2F00  }
0x14b: {  	[spmem:s3] =	stream.indirect.scatter.add.f32 [tilespmem:s22], [sflag:$0x9], $0x8, s16, s28, $0xb8;
	[tilespmem:$0x1A9C0] =	vst v63  }
0x14c: {  	s17 =	simm.s32 $0x2F80  }
0x14d: {  	[spmem:s3] =	stream.indirect.scatter.add.f32 [tilespmem:s22], [sflag:$0x9], $0x8, s17, s28, $0xb8;
	[tilespmem:$0x1A9C0] =	vst v63  }
0x14e: {  	s15 =	simm.s32 $0x3000  }
0x14f: {  	[spmem:s3] =	stream.indirect.scatter.add.f32 [tilespmem:s22], [sflag:$0x9], $0x8, s15, s28, $0xb8;
	[tilespmem:$0x1A9C0] =	vst v63  }
0x150: {  	s16 =	simm.s32 $0x3080  }
0x151: {  	[spmem:s3] =	stream.indirect.scatter.add.f32 [tilespmem:s22], [sflag:$0x9], $0x8, s16, s28, $0xb8;
	[tilespmem:$0x1A9C0] =	vst v63  }
0x152: {  	s17 =	simm.s32 $0x3100  }
0x153: {  	[spmem:s3] =	stream.indirect.scatter.add.f32 [tilespmem:s22], [sflag:$0x9], $0x8, s17, s28, $0xb8;
	[tilespmem:$0x1A9C0] =	vst v63  }
0x154: {  	s15 =	simm.s32 $0x3180  }
0x155: {  	[spmem:s3] =	stream.indirect.scatter.add.f32 [tilespmem:s22], [sflag:$0x9], $0x8, s15, s28, $0xb8;
	[tilespmem:$0x1A9C0] =	vst v63  }
0x156: {  	s16 =	simm.s32 $0x3200  }
0x157: {  	[spmem:s3] =	stream.indirect.scatter.add.f32 [tilespmem:s22], [sflag:$0x9], $0x8, s16, s28, $0xb8;
	[tilespmem:$0x1A9C0] =	vst v63  }
0x158: {  	s17 =	simm.s32 $0x3280  }
0x159: {  	[spmem:s3] =	stream.indirect.scatter.add.f32 [tilespmem:s22], [sflag:$0x9], $0x8, s17, s28, $0xb8;
	[tilespmem:$0x1A9C0] =	vst v63  }
0x15a: {  	s15 =	simm.s32 $0x3300  }
0x15b: {  	[spmem:s3] =	stream.indirect.scatter.add.f32 [tilespmem:s22], [sflag:$0x9], $0x8, s15, s28, $0xb8;
	[tilespmem:$0x1A9C0] =	vst v63  }
0x15c: {  	s16 =	simm.s32 $0x3380  }
0x15d: {  	[spmem:s3] =	stream.indirect.scatter.add.f32 [tilespmem:s22], [sflag:$0x9], $0x8, s16, s28, $0xb8;
	[tilespmem:$0x1A9C0] =	vst v63  }
0x15e: {  	s17 =	simm.s32 $0x3400  }
0x15f: {  	[spmem:s3] =	stream.indirect.scatter.add.f32 [tilespmem:s22], [sflag:$0x9], $0x8, s17, s28, $0xb8;
	[tilespmem:$0x1A9C0] =	vst v63  }
0x160: {  	s15 =	simm.s32 $0x3480  }
0x161: {  	[spmem:s3] =	stream.indirect.scatter.add.f32 [tilespmem:s22], [sflag:$0x9], $0x8, s15, s28, $0xb8;
	[tilespmem:$0x1A9C0] =	vst v63  }
0x162: {  	s16 =	simm.s32 $0x3500  }
0x163: {  	[spmem:s3] =	stream.indirect.scatter.add.f32 [tilespmem:s22], [sflag:$0x9], $0x8, s16, s28, $0xb8;
	[tilespmem:$0x1A9C0] =	vst v63  }
0x164: {  	s17 =	simm.s32 $0x3580  }
0x165: {  	[spmem:s3] =	stream.indirect.scatter.add.f32 [tilespmem:s22], [sflag:$0x9], $0x8, s17, s28, $0xb8;
	[tilespmem:$0x1A9C0] =	vst v63  }
0x166: {  	s15 =	simm.s32 $0x3600  }
0x167: {  	[spmem:s3] =	stream.indirect.scatter.add.f32 [tilespmem:s22], [sflag:$0x9], $0x8, s15, s28, $0xb8;
	[tilespmem:$0x1A9C0] =	vst v63  }
0x168: {  	s16 =	simm.s32 $0x3680  }
0x169: {  	[spmem:s3] =	stream.indirect.scatter.add.f32 [tilespmem:s22], [sflag:$0x9], $0x8, s16, s28, $0xb8;
	[tilespmem:$0x1A9C0] =	vst v63  }
0x16a: {  	s17 =	simm.s32 $0x3700  }
0x16b: {  	[spmem:s3] =	stream.indirect.scatter.add.f32 [tilespmem:s22], [sflag:$0x9], $0x8, s17, s28, $0xb8;
	[tilespmem:$0x1A9C0] =	vst v63  }
0x16c: {  	s15 =	simm.s32 $0x3780  }
0x16d: {  	[spmem:s3] =	stream.indirect.scatter.add.f32 [tilespmem:s22], [sflag:$0x9], $0x8, s15, s28, $0xb8;
	[tilespmem:$0x1A9C0] =	vst v63  }
0x16e: {  	s16 =	simm.s32 $0x3800  }
0x16f: {  	[spmem:s3] =	stream.indirect.scatter.add.f32 [tilespmem:s22], [sflag:$0x9], $0x8, s16, s28, $0xb8;
	[tilespmem:$0x1A9C0] =	vst v63  }
0x170: {  	s17 =	simm.s32 $0x3880  }
0x171: {  	[spmem:s3] =	stream.indirect.scatter.add.f32 [tilespmem:s22], [sflag:$0x9], $0x8, s17, s28, $0xb8;
	[tilespmem:$0x1A9C0] =	vst v63  }
0x172: {  	s15 =	simm.s32 $0x3900  }
0x173: {  	[spmem:s3] =	stream.indirect.scatter.add.f32 [tilespmem:s22], [sflag:$0x9], $0x8, s15, s28, $0xb8;
	[tilespmem:$0x1A9C0] =	vst v63  }
0x174: {  	s16 =	simm.s32 $0x3980  }
0x175: {  	[spmem:s3] =	stream.indirect.scatter.add.f32 [tilespmem:s22], [sflag:$0x9], $0x8, s16, s28, $0xb8;
	[tilespmem:$0x1A9C0] =	vst v63  }
0x176: {  	s17 =	simm.s32 $0x3A00  }
0x177: {  	[spmem:s3] =	stream.indirect.scatter.add.f32 [tilespmem:s22], [sflag:$0x9], $0x8, s17, s28, $0xb8;
	[tilespmem:$0x1A9C0] =	vst v63  }
0x178: {  	s15 =	simm.s32 $0x3A80  }
0x179: {  	[spmem:s3] =	stream.indirect.scatter.add.f32 [tilespmem:s22], [sflag:$0x9], $0x8, s15, s28, $0xb8;
	[tilespmem:$0x1A9C0] =	vst v63  }
0x17a: {  	s16 =	simm.s32 $0x3B00  }
0x17b: {  	[spmem:s3] =	stream.indirect.scatter.add.f32 [tilespmem:s22], [sflag:$0x9], $0x8, s16, s28, $0xb8;
	[tilespmem:$0x1A9C0] =	vst v63  }
0x17c: {  	s17 =	simm.s32 $0x3B80  }
0x17d: {  	[spmem:s3] =	stream.indirect.scatter.add.f32 [tilespmem:s22], [sflag:$0x9], $0x8, s17, s28, $0xb8;
	[tilespmem:$0x1A9C0] =	vst v63  }
0x17e: {  	_ =	swait.ge [sflag:s12], $0x400  }
0x17f: {  	s14 =	simm.s32 $0x27;
	[sflag:s12] =	ssyncset.done $0x0  }
.LBB2_7:
0x180: {  	p1 =	seq.s32 s14, $0x1;
	s14 =	sadd.s32 $0xFFFFFFFF, s14;
	[sflag:s12] =	ssyncadd.s32 $0xFFFFFC00  }
.Ltmp7:
0x181: {  	(pc) =	sbr.rel @!p1 .LBB2_7-.Ltmp7, $3  }
0x182: {  	_ =	sdelay $0x1  }
0x183: {  	_ =	swait.ge [sflag:s12], $0x400  }
0x184: {  	[sflag:s12] =	ssyncset.done $0x0  }
.Ltmp8:
0x185: {  	_ = 	snop;
	(pc) =	sbr.rel .LBB2_8-.Ltmp8, $1  }
0x186: {  	_ =	sdelay $0x3  }
.LBB2_13:
0x187: {  	_ =	sfence.sel $0x180000  }
0x188: {  	[bflag:$0x0] =	sbarrier.arrive $0xFFFF  }
0x189: {  	_ =	strace $0x90000047  }
0x18a: {  	s0 =	stileid.u32;
	[bflag:$0x2] =	sbarrier.arrive $0xFFFF  }
0x18b: {  	p0 =	sne.s32 s0, $0x0;
	s0 =	rddreg [dreg:$0x4]  }
0x18c: {  	s0 =	sadd.s32 @!p0 $0x100000, s0  }
0x18d: {  	[sflag:s0] =	ssyncadd.tile.s32 @!p0 $0x1;
	_ =	shalt  }
.Lfunc_end2:
_tile_overlayer_lowered:
.L_overlay_start_2:
0x18e: {  	(tag) =	ssettag $0x2  }
0x18f: {  	s0 =	rddreg [dreg:$0x0];
	s2 =	stileid.u32  }
0x190: {  	s1 =	rddreg [dreg:$0x1];
	p0 =	sne.s32 s2, $0x0  }
0x191: {  	s3 =	rddreg [dreg:$0x2];
	[bflag:$0x3] =	sbarrier.arrive $0xFFFF;
	s2 =	simm.s32 @!p0 $0x1C0A  }
0x192: {  	[timem:s3], [sflag:s2] =	dma.local @!p0 [hbm:s0], s1  }
0x193: {  	s0 =	simm.s32 @!p0 $0xA  }
0x194: {  	_ =	swait.ge @!p0 [sflag:s0], s1  }
0x195: {  	s1 =	ssub.s32 @!p0 $0x0, s1;
	[sflag:s0] =	ssyncset.done @!p0 $0x0  }
0x196: {  	[sflag:s0] =	ssyncadd.s32 @!p0 s1  }
0x197: {  	[bflag:$0x3] =	sbarrier.arrive $0xFFFF  }
0x198: {  	_ =	shalt  }

</sc_bundles>
